<compile_context>
chip_gen: v7x
topology: tpu7x:2x2x1
jax: 0.10.2.dev20260603
libtpu: 0.0.44.dev20260713+nightly
codegen_flags: <defaults>
</compile_context>

<pallas_src>
import functools

import jax
import jax.numpy as jnp
from jax import lax
from jax.experimental import pallas as pl
from jax.experimental.pallas import tpu as pltpu
from jax.experimental.pallas import tpu_sc as plsc

N = 10000
E = 320000
D = 128

NC = 2
NS = 16
NW = NC * NS

CHUNK = 128
EPW = 10240
EPAD = NW * EPW
ROWS_PER_LOAD = 10
N_CHUNKS = EPW // CHUNK
N_LOADS = N_CHUNKS // ROWS_PER_LOAD
DEG_ROWS_PER_LOAD = 5
DEG_N_LOADS = N_CHUNKS // DEG_ROWS_PER_LOAD

NPAD = 10240
PER_TILE = NPAD // NS

_mesh = plsc.VectorSubcoreMesh(core_axis_name="c", subcore_axis_name="s")


@functools.partial(
    pl.kernel,
    out_type=jax.ShapeDtypeStruct((NC, 1, NPAD), jnp.float32),
    mesh=_mesh,
    scratch_types=[
        pltpu.VMEM((DEG_ROWS_PER_LOAD, 1, CHUNK), jnp.int32),
        pltpu.VMEM((CHUNK,), jnp.float32),
        pltpu.VMEM_SHARED((NPAD,), jnp.float32),
        pltpu.SemaphoreType.DMA,
    ],
)
def _deg_kernel(col_hbm, zeros_hbm, ones_hbm, out_hbm, idx_v, ones_v, hist_sp, dsem):
    c = lax.axis_index("c")
    s = lax.axis_index("s")
    wid = c * NS + s
    d_z = pltpu.async_copy(zeros_hbm, hist_sp.at[pl.ds(s * PER_TILE, PER_TILE)], dsem)
    d_o = pltpu.async_copy(ones_hbm, ones_v, dsem)
    d_z.wait()
    d_o.wait()
    plsc.subcore_barrier()

    def outer(o, _):
        pltpu.sync_copy(
            col_hbm.at[wid, pl.ds(o * DEG_ROWS_PER_LOAD, DEG_ROWS_PER_LOAD)], idx_v
        )
        for j in range(DEG_ROWS_PER_LOAD):
            pltpu.async_copy(ones_v, hist_sp.at[idx_v.at[j, 0]], dsem, add=True)
        for j in range(DEG_ROWS_PER_LOAD):
            pltpu.make_async_copy(ones_v, hist_sp.at[idx_v.at[0, 0]], dsem).wait()
        return 0

    lax.fori_loop(0, DEG_N_LOADS, outer, 0)
    plsc.subcore_barrier()
    pltpu.sync_copy(
        hist_sp.at[pl.ds(s * PER_TILE, PER_TILE)],
        out_hbm.at[c, 0, pl.ds(s * PER_TILE, PER_TILE)],
    )


N_PAIRS = ROWS_PER_LOAD // 2


@functools.partial(
    pl.kernel,
    out_type=jax.ShapeDtypeStruct((NC, NPAD, D), jnp.float32),
    mesh=_mesh,
    scratch_types=[
        pltpu.VMEM((ROWS_PER_LOAD, 1, CHUNK), jnp.int32),
        pltpu.VMEM((ROWS_PER_LOAD, 1, CHUNK), jnp.int32),
        pltpu.VMEM((ROWS_PER_LOAD, 1, CHUNK), jnp.int32),
        pltpu.VMEM((ROWS_PER_LOAD, 1, CHUNK), jnp.int32),
        pltpu.VMEM((CHUNK, D), jnp.float32),
        pltpu.VMEM((CHUNK, D), jnp.float32),
        pltpu.VMEM_SHARED((NPAD, D), jnp.float32),
        pltpu.SemaphoreType.DMA,
        pltpu.SemaphoreType.DMA,
        pltpu.SemaphoreType.DMA,
    ],
)
def _edge_kernel(row_hbm, col_hbm, hp_hbm, zeros_hbm, out_hbm,
                 ir0, ic0, ir1, ic1, b0, b1, acc_sp, sem, isem, ssem):
    c = lax.axis_index("c")
    s = lax.axis_index("s")
    wid = c * NS + s
    d_ir = pltpu.async_copy(row_hbm.at[wid, pl.ds(0, ROWS_PER_LOAD)], ir0, isem)
    d_ic = pltpu.async_copy(col_hbm.at[wid, pl.ds(0, ROWS_PER_LOAD)], ic0, isem)
    d_z = pltpu.async_copy(zeros_hbm, acc_sp.at[pl.ds(s * PER_TILE, PER_TILE)], ssem)
    d_ir.wait()
    d_ic.wait()
    d_z.wait()
    plsc.subcore_barrier()

    def load_block(o, ir, ic):
        base = pl.ds(o * ROWS_PER_LOAD, ROWS_PER_LOAD)
        pltpu.async_copy(row_hbm.at[wid, base], ir, isem)
        pltpu.async_copy(col_hbm.at[wid, base], ic, isem)

    def wait_block(ir, ic):
        pltpu.make_async_copy(row_hbm.at[wid, pl.ds(0, ROWS_PER_LOAD)], ir, isem).wait()
        pltpu.make_async_copy(col_hbm.at[wid, pl.ds(0, ROWS_PER_LOAD)], ic, isem).wait()

    def wait_gather(buf, ir):
        pltpu.make_async_copy(hp_hbm.at[ir.at[0, 0]], buf, sem).wait()

    def wait_scatter(buf, ic):
        pltpu.make_async_copy(buf, acc_sp.at[ic.at[0, 0]], ssem).wait()

    def process_block(ir, ic):
        pltpu.async_copy(hp_hbm.at[ir.at[0, 0]], b0, sem)
        pltpu.async_copy(hp_hbm.at[ir.at[1, 0]], b1, sem)

        def grp(g, _):
            wait_gather(b0, ir)
            pltpu.async_copy(b0, acc_sp.at[ic.at[2 * g, 0]], ssem, add=True)
            wait_gather(b1, ir)
            pltpu.async_copy(b1, acc_sp.at[ic.at[2 * g + 1, 0]], ssem, add=True)
            wait_scatter(b0, ic)
            pltpu.async_copy(hp_hbm.at[ir.at[2 * g + 2, 0]], b0, sem)
            wait_scatter(b1, ic)
            pltpu.async_copy(hp_hbm.at[ir.at[2 * g + 3, 0]], b1, sem)
            return 0

        lax.fori_loop(0, N_PAIRS - 1, grp, 0)
        j = 2 * (N_PAIRS - 1)
        wait_gather(b0, ir)
        pltpu.async_copy(b0, acc_sp.at[ic.at[j, 0]], ssem, add=True)
        wait_gather(b1, ir)
        pltpu.async_copy(b1, acc_sp.at[ic.at[j + 1, 0]], ssem, add=True)
        wait_scatter(b0, ic)
        wait_scatter(b1, ic)

    def outer(o, _):
        even = o % 2 == 0

        @pl.when(jnp.logical_and(even, o < N_LOADS - 1))
        def _():
            load_block(o + 1, ir1, ic1)

        @pl.when(jnp.logical_and(~even, o < N_LOADS - 1))
        def _():
            load_block(o + 1, ir0, ic0)

        @pl.when(even)
        def _():
            process_block(ir0, ic0)

        @pl.when(~even)
        def _():
            process_block(ir1, ic1)

        @pl.when(jnp.logical_and(even, o < N_LOADS - 1))
        def _():
            wait_block(ir1, ic1)

        @pl.when(jnp.logical_and(~even, o < N_LOADS - 1))
        def _():
            wait_block(ir0, ic0)

        return 0

    lax.fori_loop(0, N_LOADS, outer, 0)
    plsc.subcore_barrier()
    pltpu.sync_copy(
        acc_sp.at[pl.ds(s * PER_TILE, PER_TILE)],
        out_hbm.at[c, pl.ds(s * PER_TILE, PER_TILE)],
    )


BLK = 1000
GRID = N // BLK


def _mm_body(x_ref, wg_ref, wl_ref, h_ref, x2_ref):
    h_ref[...] = jnp.dot(x_ref[...], wg_ref[...], preferred_element_type=jnp.float32)
    x2_ref[...] = jnp.dot(x_ref[...], wl_ref[...], preferred_element_type=jnp.float32)


def _scale_body(h_ref, degp_ref, hp_ref):
    deg = degp_ref[:, 0] + degp_ref[:, 1] + 1.0
    hp_ref[...] = h_ref[...] * lax.rsqrt(deg)[:, None]


def _final_body(accp_ref, hp_ref, x2_ref, degp_ref, b_ref, g_ref, be_ref, out_ref):
    deg = degp_ref[:, 0] + degp_ref[:, 1] + 1.0
    dinv = lax.rsqrt(deg)
    acc = accp_ref[0] + accp_ref[1] + hp_ref[...]
    x1 = dinv[:, None] * acc + b_ref[...]
    z = x1 + x2_ref[...] + 1e-6
    mu = jnp.mean(z, axis=-1, keepdims=True)
    zc = z - mu
    var = jnp.mean(zc * zc, axis=-1, keepdims=True)
    out_ref[...] = zc * lax.rsqrt(var + 1e-5) * g_ref[...] + be_ref[...]


def kernel(adj, x, W_gcn, b_gcn, W_lin, gamma, beta):
    n_extra = EPAD - E
    pad_row = jnp.arange(n_extra, dtype=jnp.int32) % N
    pad_col = N + jnp.arange(n_extra, dtype=jnp.int32) % (NPAD - N)
    row = jnp.concatenate([adj[0].astype(jnp.int32), pad_row])
    col = jnp.concatenate([adj[1].astype(jnp.int32), pad_col])
    row = row.reshape(NW, N_CHUNKS, 1, CHUNK)
    col = col.reshape(NW, N_CHUNKS, 1, CHUNK)

    zeros_hist = jnp.zeros((PER_TILE,), jnp.float32)
    ones_chunk = jnp.ones((CHUNK,), jnp.float32)
    zeros_rows = jnp.zeros((PER_TILE, D), jnp.float32)

    degp_full = _deg_kernel(col, zeros_hist, ones_chunk)
    degp = degp_full[:, 0, :N].T

    h_raw, x2 = pl.pallas_call(
        _mm_body,
        grid=(GRID,),
        in_specs=[
            pl.BlockSpec((BLK, D), lambda i: (i, 0)),
            pl.BlockSpec((D, D), lambda i: (0, 0)),
            pl.BlockSpec((D, D), lambda i: (0, 0)),
        ],
        out_specs=[
            pl.BlockSpec((BLK, D), lambda i: (i, 0)),
            pl.BlockSpec((BLK, D), lambda i: (i, 0)),
        ],
        out_shape=[
            jax.ShapeDtypeStruct((N, D), jnp.float32),
            jax.ShapeDtypeStruct((N, D), jnp.float32),
        ],
    )(x, W_gcn.T, W_lin.T)

    hp = pl.pallas_call(
        _scale_body,
        grid=(GRID,),
        in_specs=[
            pl.BlockSpec((BLK, D), lambda i: (i, 0)),
            pl.BlockSpec((BLK, 2), lambda i: (i, 0)),
        ],
        out_specs=pl.BlockSpec((BLK, D), lambda i: (i, 0)),
        out_shape=jax.ShapeDtypeStruct((N, D), jnp.float32),
    )(h_raw, degp)

    accp_full = _edge_kernel(row, col, hp, zeros_rows)

    out = pl.pallas_call(
        _final_body,
        grid=(GRID,),
        in_specs=[
            pl.BlockSpec((2, BLK, D), lambda i: (0, i, 0)),
            pl.BlockSpec((BLK, D), lambda i: (i, 0)),
            pl.BlockSpec((BLK, D), lambda i: (i, 0)),
            pl.BlockSpec((BLK, 2), lambda i: (i, 0)),
            pl.BlockSpec((1, D), lambda i: (0, 0)),
            pl.BlockSpec((1, D), lambda i: (0, 0)),
            pl.BlockSpec((1, D), lambda i: (0, 0)),
        ],
        out_specs=pl.BlockSpec((BLK, D), lambda i: (i, 0)),
        out_shape=jax.ShapeDtypeStruct((N, D), jnp.float32),
    )(accp_full, hp, x2, degp, b_gcn.reshape(1, D), gamma.reshape(1, D), beta.reshape(1, D))

    return out

# --- scband reference (transcript-rebuilt; emitter-appended) ---
"""Pipeline reference for scband-graph-node-update-2302102471102 (READ-ONLY COPY).

The authoritative reference and input builder live on the scoring server;
editing this copy changes nothing except your own understanding.
"""

import jax, jax.numpy as jnp
import numpy as np

N = 10000
E = 320000
D = 128


def setup_inputs(seed: int = 0) -> dict:
    key = jax.random.key(seed)
    k1, k2, k3, k4 = jax.random.split(key, 4)
    adj = jax.random.randint(k1, (2, E), 0, N, dtype=jnp.int64)
    x = jax.random.normal(k2, (N, D), dtype=jnp.float32)
    W_gcn = jax.random.normal(k3, (D, D), dtype=jnp.float32) * 0.05
    b_gcn = jnp.zeros((D,), dtype=jnp.float32)
    W_lin = jax.random.normal(k4, (D, D), dtype=jnp.float32) * 0.05
    gamma = jnp.ones((D,), dtype=jnp.float32)
    beta = jnp.zeros((D,), dtype=jnp.float32)
    return {"adj": adj, "x": x, "W_gcn": W_gcn, "b_gcn": b_gcn, "W_lin": W_lin, "gamma": gamma, "beta": beta}


def reference(adj, x, W_gcn, b_gcn, W_lin, gamma, beta):
    n = x.shape[0]
    # --- GCNConv (PyG semantics): add self-loops, symmetric normalization ---
    loops = jnp.arange(n, dtype=adj.dtype)
    row = jnp.concatenate([adj[0], loops])
    col = jnp.concatenate([adj[1], loops])
    ew = jnp.ones(row.shape[0], dtype=x.dtype)
    deg = jnp.zeros((n,), dtype=x.dtype).at[col].add(ew)
    dinv = jnp.where(deg > 0, deg ** -0.5, 0.0)
    norm = dinv[row] * ew * dinv[col]
    h = x @ W_gcn.T
    msg = jnp.take(h, row, axis=0) * norm[:, None]
    x1 = jnp.zeros((n, h.shape[1]), dtype=x.dtype).at[col].add(msg) + b_gcn
    # --- parallel linear branch (bias=False) ---
    x2 = x @ W_lin.T
    # --- residual combine + LayerNorm (elementwise affine) ---
    z = x1 + x2 + 1e-06
    mu = jnp.mean(z, axis=-1, keepdims=True)
    var = jnp.var(z, axis=-1, keepdims=True)
    out = (z - mu) / jnp.sqrt(var + 1e-05) * gamma + beta
    return out

if __name__ == "__main__":
    import jax
    _d = setup_inputs()
    print(jax.jit(kernel)(*tuple(_d.values())))

</pallas_src>

<mosaic_0001>
#map = affine_map<(d0, d1) -> (0, 0, 0, 0)>
#map1 = affine_map<(d0, d1) -> (0)>
#map2 = affine_map<(d0, d1) -> (0, 0, 0)>
module attributes {stable_mosaic.version = 14 : i64} {
  func.func @_deg_kernel(%arg0: i32, %arg1: i32, %arg2: memref<32x80x1x128xi32, #tpu.memory_space<hbm>>, %arg3: memref<640xf32, #tpu.memory_space<hbm>>, %arg4: memref<128xf32, #tpu.memory_space<hbm>>, %arg5: memref<2x1x10240xf32, #tpu.memory_space<hbm>>, %arg6: memref<5x1x128xi32, #tpu.memory_space<vmem>>, %arg7: memref<128xf32, #tpu.memory_space<vmem>>, %arg8: memref<10240xf32, #tpu.memory_space<vmem_shared>>, %arg9: memref<!tpu.dma_semaphore, #tpu.memory_space<semaphore_mem>>) attributes {dimension_semantics = [#tpu.dimension_semantics<core_parallel>, #tpu.dimension_semantics<subcore_parallel>], iteration_bounds = array<i64: 2, 16>, scalar_prefetch = 0 : i64, scratch_operands = 4 : i64, tpu.core_type = #tpu.core_type<sc_vector_subcore>, window_params = [{transform_indices = #map}, {transform_indices = #map1}, {transform_indices = #map1}, {transform_indices = #map2}]} {
    %mul3A = arith.constant 16 : i32
    %mul3A_0 = arith.muli %arg0, %mul3A : i32
    %add3A = arith.addi %mul3A_0, %arg1 : i32
    %mul3A_1 = arith.constant 640 : i32
    %mul3A_2 = arith.muli %arg1, %mul3A_1 : i32
    %dma_start3A = tpu.memref_slice %arg8[%mul3A_2] : memref<10240xf32, #tpu.memory_space<vmem_shared>> -> memref<640xf32, #tpu.memory_space<vmem_shared>>
    tpu.enqueue_dma source(%arg3 : memref<640xf32, #tpu.memory_space<hbm>>) target(%dma_start3A : memref<640xf32, #tpu.memory_space<vmem_shared>>) target_semaphore(%arg9 : memref<!tpu.dma_semaphore, #tpu.memory_space<semaphore_mem>>)
    tpu.enqueue_dma source(%arg4 : memref<128xf32, #tpu.memory_space<hbm>>) target(%arg7 : memref<128xf32, #tpu.memory_space<vmem>>) target_semaphore(%arg9 : memref<!tpu.dma_semaphore, #tpu.memory_space<semaphore_mem>>)
    %dma_wait3A = tpu.memref_slice %arg8[%mul3A_2] : memref<10240xf32, #tpu.memory_space<vmem_shared>> -> memref<640xf32, #tpu.memory_space<vmem_shared>>
    tpu.wait_dma2 semaphore(%arg9 : memref<!tpu.dma_semaphore, #tpu.memory_space<semaphore_mem>>) src(%arg3 : memref<640xf32, #tpu.memory_space<hbm>>) dst(%dma_wait3A : memref<640xf32, #tpu.memory_space<vmem_shared>>)
    tpu.wait_dma2 semaphore(%arg9 : memref<!tpu.dma_semaphore, #tpu.memory_space<semaphore_mem>>) src(%arg4 : memref<128xf32, #tpu.memory_space<hbm>>) dst(%arg7 : memref<128xf32, #tpu.memory_space<vmem>>)
    %barrier3A = arith.constant 0 : index
    tpu.barrier barrier_id(%barrier3A)
    %scan3A = arith.constant 0 : i32
    %scan3A_3 = arith.constant 0 : i32
    %scan3A_4 = arith.constant 16 : i32
    %scan3A_5 = arith.addi %scan3A_3, %scan3A_4 : i32
    %scan3A_6 = arith.constant 1 : i32
    %scan3A_7 = scf.for %scan3A_14 = %scan3A_3 to %scan3A_5 step %scan3A_6 iter_args(%scan3A_15 = %scan3A) -> (i32)  : i32 {
      %mul3A_16 = arith.constant 5 : i32
      %mul3A_17 = arith.muli %scan3A_14, %mul3A_16 : i32
      "tpu.region"() ({
        %run_scoped3A_89 = tpu.sem_alloc : memref<!tpu.dma_semaphore, #tpu.memory_space<semaphore_mem>>
        %dma_start3A_90 = arith.constant 0 : i32
        %dma_start3A_91 = arith.constant 0 : i32
        %dma_start3A_92 = tpu.memref_slice %arg2[%add3A, %mul3A_17, %dma_start3A_90, %dma_start3A_91] : memref<32x80x1x128xi32, #tpu.memory_space<hbm>> -> memref<1x5x1x128xi32, #tpu.memory_space<hbm>>
        %dma_start3A_93 = tpu.memref_squeeze %dma_start3A_92 : memref<1x5x1x128xi32, #tpu.memory_space<hbm>> -> memref<5x1x128xi32, #tpu.memory_space<hbm>>
        %dma_start3A_94 = arith.constant 0 : i32
        %dma_start3A_95 = arith.constant 0 : i32
        %dma_start3A_96 = tpu.memref_slice %arg2[%add3A, %mul3A_17, %dma_start3A_94, %dma_start3A_95] : memref<32x80x1x128xi32, #tpu.memory_space<hbm>> -> memref<1x5x1x128xi32, #tpu.memory_space<hbm>>
        %dma_start3A_97 = tpu.memref_squeeze %dma_start3A_96 : memref<1x5x1x128xi32, #tpu.memory_space<hbm>> -> memref<5x1x128xi32, #tpu.memory_space<hbm>>
        tpu.enqueue_dma source(%dma_start3A_97 : memref<5x1x128xi32, #tpu.memory_space<hbm>>) target(%arg6 : memref<5x1x128xi32, #tpu.memory_space<vmem>>) target_semaphore(%run_scoped3A_89 : memref<!tpu.dma_semaphore, #tpu.memory_space<semaphore_mem>>)
        %dma_wait3A_98 = arith.constant 0 : i32
        %dma_wait3A_99 = arith.constant 0 : i32
        %dma_wait3A_100 = tpu.memref_slice %arg2[%add3A, %mul3A_17, %dma_wait3A_98, %dma_wait3A_99] : memref<32x80x1x128xi32, #tpu.memory_space<hbm>> -> memref<1x5x1x128xi32, #tpu.memory_space<hbm>>
        %dma_wait3A_101 = tpu.memref_squeeze %dma_wait3A_100 : memref<1x5x1x128xi32, #tpu.memory_space<hbm>> -> memref<5x1x128xi32, #tpu.memory_space<hbm>>
        %dma_wait3A_102 = arith.constant 0 : i32
        %dma_wait3A_103 = arith.constant 0 : i32
        %dma_wait3A_104 = tpu.memref_slice %arg2[%add3A, %mul3A_17, %dma_wait3A_102, %dma_wait3A_103] : memref<32x80x1x128xi32, #tpu.memory_space<hbm>> -> memref<1x5x1x128xi32, #tpu.memory_space<hbm>>
        %dma_wait3A_105 = tpu.memref_squeeze %dma_wait3A_104 : memref<1x5x1x128xi32, #tpu.memory_space<hbm>> -> memref<5x1x128xi32, #tpu.memory_space<hbm>>
        tpu.wait_dma2 semaphore(%run_scoped3A_89 : memref<!tpu.dma_semaphore, #tpu.memory_space<semaphore_mem>>) src(%dma_wait3A_105 : memref<5x1x128xi32, #tpu.memory_space<hbm>>) dst(%arg6 : memref<5x1x128xi32, #tpu.memory_space<vmem>>)
        tpu.yield
      }) : () -> ()
      %dma_start3A_18 = arith.constant 0 : i32
      %dma_start3A_19 = arith.constant 0 : i32
      %dma_start3A_20 = arith.constant 0 : i32
      %dma_start3A_21 = tpu.memref_slice %arg6[%dma_start3A_18, %dma_start3A_19, %dma_start3A_20] : memref<5x1x128xi32, #tpu.memory_space<vmem>> -> memref<1x1x128xi32, #tpu.memory_space<vmem>>
      %dma_start3A_22 = tpu.memref_squeeze %dma_start3A_21 : memref<1x1x128xi32, #tpu.memory_space<vmem>> -> memref<128xi32, #tpu.memory_space<vmem>>
      %dma_start3A_23 = arith.constant 0 : i32
      %dma_start3A_24 = tpu.memref_slice %arg8[%dma_start3A_23] : memref<10240xf32, #tpu.memory_space<vmem_shared>> -> memref<10240xf32, #tpu.memory_space<vmem_shared>>
      tpu.enqueue_indirect_dma source(%arg7 : memref<128xf32, #tpu.memory_space<vmem>>) target(%dma_start3A_24 : memref<10240xf32, #tpu.memory_space<vmem_shared>>) offsets(%dma_start3A_22 : memref<128xi32, #tpu.memory_space<vmem>>) semaphore(%arg9 : memref<!tpu.dma_semaphore, #tpu.memory_space<semaphore_mem>>) {add = true}
      %dma_start3A_25 = arith.constant 1 : i32
      %dma_start3A_26 = arith.constant 0 : i32
      %dma_start3A_27 = arith.constant 0 : i32
      %dma_start3A_28 = tpu.memref_slice %arg6[%dma_start3A_25, %dma_start3A_26, %dma_start3A_27] : memref<5x1x128xi32, #tpu.memory_space<vmem>> -> memref<1x1x128xi32, #tpu.memory_space<vmem>>
      %dma_start3A_29 = tpu.memref_squeeze %dma_start3A_28 : memref<1x1x128xi32, #tpu.memory_space<vmem>> -> memref<128xi32, #tpu.memory_space<vmem>>
      %dma_start3A_30 = arith.constant 0 : i32
      %dma_start3A_31 = tpu.memref_slice %arg8[%dma_start3A_30] : memref<10240xf32, #tpu.memory_space<vmem_shared>> -> memref<10240xf32, #tpu.memory_space<vmem_shared>>
      tpu.enqueue_indirect_dma source(%arg7 : memref<128xf32, #tpu.memory_space<vmem>>) target(%dma_start3A_31 : memref<10240xf32, #tpu.memory_space<vmem_shared>>) offsets(%dma_start3A_29 : memref<128xi32, #tpu.memory_space<vmem>>) semaphore(%arg9 : memref<!tpu.dma_semaphore, #tpu.memory_space<semaphore_mem>>) {add = true}
      %dma_start3A_32 = arith.constant 2 : i32
      %dma_start3A_33 = arith.constant 0 : i32
      %dma_start3A_34 = arith.constant 0 : i32
      %dma_start3A_35 = tpu.memref_slice %arg6[%dma_start3A_32, %dma_start3A_33, %dma_start3A_34] : memref<5x1x128xi32, #tpu.memory_space<vmem>> -> memref<1x1x128xi32, #tpu.memory_space<vmem>>
      %dma_start3A_36 = tpu.memref_squeeze %dma_start3A_35 : memref<1x1x128xi32, #tpu.memory_space<vmem>> -> memref<128xi32, #tpu.memory_space<vmem>>
      %dma_start3A_37 = arith.constant 0 : i32
      %dma_start3A_38 = tpu.memref_slice %arg8[%dma_start3A_37] : memref<10240xf32, #tpu.memory_space<vmem_shared>> -> memref<10240xf32, #tpu.memory_space<vmem_shared>>
      tpu.enqueue_indirect_dma source(%arg7 : memref<128xf32, #tpu.memory_space<vmem>>) target(%dma_start3A_38 : memref<10240xf32, #tpu.memory_space<vmem_shared>>) offsets(%dma_start3A_36 : memref<128xi32, #tpu.memory_space<vmem>>) semaphore(%arg9 : memref<!tpu.dma_semaphore, #tpu.memory_space<semaphore_mem>>) {add = true}
      %dma_start3A_39 = arith.constant 3 : i32
      %dma_start3A_40 = arith.constant 0 : i32
      %dma_start3A_41 = arith.constant 0 : i32
      %dma_start3A_42 = tpu.memref_slice %arg6[%dma_start3A_39, %dma_start3A_40, %dma_start3A_41] : memref<5x1x128xi32, #tpu.memory_space<vmem>> -> memref<1x1x128xi32, #tpu.memory_space<vmem>>
      %dma_start3A_43 = tpu.memref_squeeze %dma_start3A_42 : memref<1x1x128xi32, #tpu.memory_space<vmem>> -> memref<128xi32, #tpu.memory_space<vmem>>
      %dma_start3A_44 = arith.constant 0 : i32
      %dma_start3A_45 = tpu.memref_slice %arg8[%dma_start3A_44] : memref<10240xf32, #tpu.memory_space<vmem_shared>> -> memref<10240xf32, #tpu.memory_space<vmem_shared>>
      tpu.enqueue_indirect_dma source(%arg7 : memref<128xf32, #tpu.memory_space<vmem>>) target(%dma_start3A_45 : memref<10240xf32, #tpu.memory_space<vmem_shared>>) offsets(%dma_start3A_43 : memref<128xi32, #tpu.memory_space<vmem>>) semaphore(%arg9 : memref<!tpu.dma_semaphore, #tpu.memory_space<semaphore_mem>>) {add = true}
      %dma_start3A_46 = arith.constant 4 : i32
      %dma_start3A_47 = arith.constant 0 : i32
      %dma_start3A_48 = arith.constant 0 : i32
      %dma_start3A_49 = tpu.memref_slice %arg6[%dma_start3A_46, %dma_start3A_47, %dma_start3A_48] : memref<5x1x128xi32, #tpu.memory_space<vmem>> -> memref<1x1x128xi32, #tpu.memory_space<vmem>>
      %dma_start3A_50 = tpu.memref_squeeze %dma_start3A_49 : memref<1x1x128xi32, #tpu.memory_space<vmem>> -> memref<128xi32, #tpu.memory_space<vmem>>
      %dma_start3A_51 = arith.constant 0 : i32
      %dma_start3A_52 = tpu.memref_slice %arg8[%dma_start3A_51] : memref<10240xf32, #tpu.memory_space<vmem_shared>> -> memref<10240xf32, #tpu.memory_space<vmem_shared>>
      tpu.enqueue_indirect_dma source(%arg7 : memref<128xf32, #tpu.memory_space<vmem>>) target(%dma_start3A_52 : memref<10240xf32, #tpu.memory_space<vmem_shared>>) offsets(%dma_start3A_50 : memref<128xi32, #tpu.memory_space<vmem>>) semaphore(%arg9 : memref<!tpu.dma_semaphore, #tpu.memory_space<semaphore_mem>>) {add = true}
      %dma_wait3A_53 = arith.constant 0 : i32
      %dma_wait3A_54 = arith.constant 0 : i32
      %dma_wait3A_55 = arith.constant 0 : i32
      %dma_wait3A_56 = tpu.memref_slice %arg6[%dma_wait3A_53, %dma_wait3A_54, %dma_wait3A_55] : memref<5x1x128xi32, #tpu.memory_space<vmem>> -> memref<1x1x128xi32, #tpu.memory_space<vmem>>
      %dma_wait3A_57 = tpu.memref_squeeze %dma_wait3A_56 : memref<1x1x128xi32, #tpu.memory_space<vmem>> -> memref<128xi32, #tpu.memory_space<vmem>>
      %dma_wait3A_58 = arith.constant 0 : i32
      %dma_wait3A_59 = tpu.memref_slice %arg8[%dma_wait3A_58] : memref<10240xf32, #tpu.memory_space<vmem_shared>> -> memref<10240xf32, #tpu.memory_space<vmem_shared>>
      tpu.wait_indirect_dma semaphore(%arg9 : memref<!tpu.dma_semaphore, #tpu.memory_space<semaphore_mem>>) src(%arg7 : memref<128xf32, #tpu.memory_space<vmem>>) dst(%dma_wait3A_59 : memref<10240xf32, #tpu.memory_space<vmem_shared>>)
      %dma_wait3A_60 = arith.constant 0 : i32
      %dma_wait3A_61 = arith.constant 0 : i32
      %dma_wait3A_62 = arith.constant 0 : i32
      %dma_wait3A_63 = tpu.memref_slice %arg6[%dma_wait3A_60, %dma_wait3A_61, %dma_wait3A_62] : memref<5x1x128xi32, #tpu.memory_space<vmem>> -> memref<1x1x128xi32, #tpu.memory_space<vmem>>
      %dma_wait3A_64 = tpu.memref_squeeze %dma_wait3A_63 : memref<1x1x128xi32, #tpu.memory_space<vmem>> -> memref<128xi32, #tpu.memory_space<vmem>>
      %dma_wait3A_65 = arith.constant 0 : i32
      %dma_wait3A_66 = tpu.memref_slice %arg8[%dma_wait3A_65] : memref<10240xf32, #tpu.memory_space<vmem_shared>> -> memref<10240xf32, #tpu.memory_space<vmem_shared>>
      tpu.wait_indirect_dma semaphore(%arg9 : memref<!tpu.dma_semaphore, #tpu.memory_space<semaphore_mem>>) src(%arg7 : memref<128xf32, #tpu.memory_space<vmem>>) dst(%dma_wait3A_66 : memref<10240xf32, #tpu.memory_space<vmem_shared>>)
      %dma_wait3A_67 = arith.constant 0 : i32
      %dma_wait3A_68 = arith.constant 0 : i32
      %dma_wait3A_69 = arith.constant 0 : i32
      %dma_wait3A_70 = tpu.memref_slice %arg6[%dma_wait3A_67, %dma_wait3A_68, %dma_wait3A_69] : memref<5x1x128xi32, #tpu.memory_space<vmem>> -> memref<1x1x128xi32, #tpu.memory_space<vmem>>
      %dma_wait3A_71 = tpu.memref_squeeze %dma_wait3A_70 : memref<1x1x128xi32, #tpu.memory_space<vmem>> -> memref<128xi32, #tpu.memory_space<vmem>>
      %dma_wait3A_72 = arith.constant 0 : i32
      %dma_wait3A_73 = tpu.memref_slice %arg8[%dma_wait3A_72] : memref<10240xf32, #tpu.memory_space<vmem_shared>> -> memref<10240xf32, #tpu.memory_space<vmem_shared>>
      tpu.wait_indirect_dma semaphore(%arg9 : memref<!tpu.dma_semaphore, #tpu.memory_space<semaphore_mem>>) src(%arg7 : memref<128xf32, #tpu.memory_space<vmem>>) dst(%dma_wait3A_73 : memref<10240xf32, #tpu.memory_space<vmem_shared>>)
      %dma_wait3A_74 = arith.constant 0 : i32
      %dma_wait3A_75 = arith.constant 0 : i32
      %dma_wait3A_76 = arith.constant 0 : i32
      %dma_wait3A_77 = tpu.memref_slice %arg6[%dma_wait3A_74, %dma_wait3A_75, %dma_wait3A_76] : memref<5x1x128xi32, #tpu.memory_space<vmem>> -> memref<1x1x128xi32, #tpu.memory_space<vmem>>
      %dma_wait3A_78 = tpu.memref_squeeze %dma_wait3A_77 : memref<1x1x128xi32, #tpu.memory_space<vmem>> -> memref<128xi32, #tpu.memory_space<vmem>>
      %dma_wait3A_79 = arith.constant 0 : i32
      %dma_wait3A_80 = tpu.memref_slice %arg8[%dma_wait3A_79] : memref<10240xf32, #tpu.memory_space<vmem_shared>> -> memref<10240xf32, #tpu.memory_space<vmem_shared>>
      tpu.wait_indirect_dma semaphore(%arg9 : memref<!tpu.dma_semaphore, #tpu.memory_space<semaphore_mem>>) src(%arg7 : memref<128xf32, #tpu.memory_space<vmem>>) dst(%dma_wait3A_80 : memref<10240xf32, #tpu.memory_space<vmem_shared>>)
      %dma_wait3A_81 = arith.constant 0 : i32
      %dma_wait3A_82 = arith.constant 0 : i32
      %dma_wait3A_83 = arith.constant 0 : i32
      %dma_wait3A_84 = tpu.memref_slice %arg6[%dma_wait3A_81, %dma_wait3A_82, %dma_wait3A_83] : memref<5x1x128xi32, #tpu.memory_space<vmem>> -> memref<1x1x128xi32, #tpu.memory_space<vmem>>
      %dma_wait3A_85 = tpu.memref_squeeze %dma_wait3A_84 : memref<1x1x128xi32, #tpu.memory_space<vmem>> -> memref<128xi32, #tpu.memory_space<vmem>>
      %dma_wait3A_86 = arith.constant 0 : i32
      %dma_wait3A_87 = tpu.memref_slice %arg8[%dma_wait3A_86] : memref<10240xf32, #tpu.memory_space<vmem_shared>> -> memref<10240xf32, #tpu.memory_space<vmem_shared>>
      tpu.wait_indirect_dma semaphore(%arg9 : memref<!tpu.dma_semaphore, #tpu.memory_space<semaphore_mem>>) src(%arg7 : memref<128xf32, #tpu.memory_space<vmem>>) dst(%dma_wait3A_87 : memref<10240xf32, #tpu.memory_space<vmem_shared>>)
      %scan3A_88 = arith.constant 0 : i32
      scf.yield %scan3A_88 : i32
    }
    %scan3A_8 = arith.constant 16 : i32
    %barrier3A_9 = arith.constant 0 : index
    tpu.barrier barrier_id(%barrier3A_9)
    %mul3A_10 = arith.constant 640 : i32
    %mul3A_11 = arith.muli %arg1, %mul3A_10 : i32
    %mul3A_12 = arith.constant 640 : i32
    %mul3A_13 = arith.muli %arg1, %mul3A_12 : i32
    %run_scoped3A = arith.constant 0 : i32
    "tpu.region"() ({
      %run_scoped3A_14 = tpu.sem_alloc : memref<!tpu.dma_semaphore, #tpu.memory_space<semaphore_mem>>
      %dma_start3A_15 = tpu.memref_slice %arg5[%arg0, %run_scoped3A, %mul3A_13] : memref<2x1x10240xf32, #tpu.memory_space<hbm>> -> memref<1x1x640xf32, #tpu.memory_space<hbm>>
      %dma_start3A_16 = tpu.memref_squeeze %dma_start3A_15 : memref<1x1x640xf32, #tpu.memory_space<hbm>> -> memref<640xf32, #tpu.memory_space<hbm>>
      %dma_start3A_17 = tpu.memref_slice %arg8[%mul3A_11] : memref<10240xf32, #tpu.memory_space<vmem_shared>> -> memref<640xf32, #tpu.memory_space<vmem_shared>>
      tpu.enqueue_dma source(%dma_start3A_17 : memref<640xf32, #tpu.memory_space<vmem_shared>>) target(%dma_start3A_16 : memref<640xf32, #tpu.memory_space<hbm>>) target_semaphore(%run_scoped3A_14 : memref<!tpu.dma_semaphore, #tpu.memory_space<semaphore_mem>>)
      %dma_wait3A_18 = tpu.memref_slice %arg5[%arg0, %run_scoped3A, %mul3A_13] : memref<2x1x10240xf32, #tpu.memory_space<hbm>> -> memref<1x1x640xf32, #tpu.memory_space<hbm>>
      %dma_wait3A_19 = tpu.memref_squeeze %dma_wait3A_18 : memref<1x1x640xf32, #tpu.memory_space<hbm>> -> memref<640xf32, #tpu.memory_space<hbm>>
      %dma_wait3A_20 = tpu.memref_slice %arg8[%mul3A_11] : memref<10240xf32, #tpu.memory_space<vmem_shared>> -> memref<640xf32, #tpu.memory_space<vmem_shared>>
      tpu.wait_dma2 semaphore(%run_scoped3A_14 : memref<!tpu.dma_semaphore, #tpu.memory_space<semaphore_mem>>) src(%dma_wait3A_20 : memref<640xf32, #tpu.memory_space<vmem_shared>>) dst(%dma_wait3A_19 : memref<640xf32, #tpu.memory_space<hbm>>)
      tpu.yield
    }) : () -> ()
    return
  }
}

#map = affine_map<(d0, d1) -> (0, 0, 0, 0)>
#map1 = affine_map<(d0, d1) -> (0, 0)>
#map2 = affine_map<(d0, d1) -> (0, 0, 0)>
module attributes {stable_mosaic.version = 14 : i64} {
  func.func @_edge_kernel(%arg0: i32, %arg1: i32, %arg2: memref<32x80x1x128xi32, #tpu.memory_space<hbm>>, %arg3: memref<32x80x1x128xi32, #tpu.memory_space<hbm>>, %arg4: memref<10000x128xf32, #tpu.memory_space<hbm>>, %arg5: memref<640x128xf32, #tpu.memory_space<hbm>>, %arg6: memref<2x10240x128xf32, #tpu.memory_space<hbm>>, %arg7: memref<10x1x128xi32, #tpu.memory_space<vmem>>, %arg8: memref<10x1x128xi32, #tpu.memory_space<vmem>>, %arg9: memref<10x1x128xi32, #tpu.memory_space<vmem>>, %arg10: memref<10x1x128xi32, #tpu.memory_space<vmem>>, %arg11: memref<128x128xf32, #tpu.memory_space<vmem>>, %arg12: memref<128x128xf32, #tpu.memory_space<vmem>>, %arg13: memref<10240x128xf32, #tpu.memory_space<vmem_shared>>, %arg14: memref<!tpu.dma_semaphore, #tpu.memory_space<semaphore_mem>>, %arg15: memref<!tpu.dma_semaphore, #tpu.memory_space<semaphore_mem>>, %arg16: memref<!tpu.dma_semaphore, #tpu.memory_space<semaphore_mem>>) attributes {dimension_semantics = [#tpu.dimension_semantics<core_parallel>, #tpu.dimension_semantics<subcore_parallel>], iteration_bounds = array<i64: 2, 16>, scalar_prefetch = 0 : i64, scratch_operands = 10 : i64, tpu.core_type = #tpu.core_type<sc_vector_subcore>, window_params = [{transform_indices = #map}, {transform_indices = #map}, {transform_indices = #map1}, {transform_indices = #map1}, {transform_indices = #map2}]} {
    %mul3A = arith.constant 16 : i32
    %mul3A_0 = arith.muli %arg0, %mul3A : i32
    %add3A = arith.addi %mul3A_0, %arg1 : i32
    %dma_start3A = arith.constant 0 : i32
    %dma_start3A_1 = arith.constant 0 : i32
    %dma_start3A_2 = arith.constant 0 : i32
    %dma_start3A_3 = tpu.memref_slice %arg2[%add3A, %dma_start3A, %dma_start3A_1, %dma_start3A_2] : memref<32x80x1x128xi32, #tpu.memory_space<hbm>> -> memref<1x10x1x128xi32, #tpu.memory_space<hbm>>
    %dma_start3A_4 = tpu.memref_squeeze %dma_start3A_3 : memref<1x10x1x128xi32, #tpu.memory_space<hbm>> -> memref<10x1x128xi32, #tpu.memory_space<hbm>>
    %dma_start3A_5 = arith.constant 0 : i32
    %dma_start3A_6 = arith.constant 0 : i32
    %dma_start3A_7 = arith.constant 0 : i32
    %dma_start3A_8 = tpu.memref_slice %arg2[%add3A, %dma_start3A_5, %dma_start3A_6, %dma_start3A_7] : memref<32x80x1x128xi32, #tpu.memory_space<hbm>> -> memref<1x10x1x128xi32, #tpu.memory_space<hbm>>
    %dma_start3A_9 = tpu.memref_squeeze %dma_start3A_8 : memref<1x10x1x128xi32, #tpu.memory_space<hbm>> -> memref<10x1x128xi32, #tpu.memory_space<hbm>>
    tpu.enqueue_dma source(%dma_start3A_9 : memref<10x1x128xi32, #tpu.memory_space<hbm>>) target(%arg7 : memref<10x1x128xi32, #tpu.memory_space<vmem>>) target_semaphore(%arg15 : memref<!tpu.dma_semaphore, #tpu.memory_space<semaphore_mem>>)
    %dma_start3A_10 = arith.constant 0 : i32
    %dma_start3A_11 = arith.constant 0 : i32
    %dma_start3A_12 = arith.constant 0 : i32
    %dma_start3A_13 = tpu.memref_slice %arg3[%add3A, %dma_start3A_10, %dma_start3A_11, %dma_start3A_12] : memref<32x80x1x128xi32, #tpu.memory_space<hbm>> -> memref<1x10x1x128xi32, #tpu.memory_space<hbm>>
    %dma_start3A_14 = tpu.memref_squeeze %dma_start3A_13 : memref<1x10x1x128xi32, #tpu.memory_space<hbm>> -> memref<10x1x128xi32, #tpu.memory_space<hbm>>
    %dma_start3A_15 = arith.constant 0 : i32
    %dma_start3A_16 = arith.constant 0 : i32
    %dma_start3A_17 = arith.constant 0 : i32
    %dma_start3A_18 = tpu.memref_slice %arg3[%add3A, %dma_start3A_15, %dma_start3A_16, %dma_start3A_17] : memref<32x80x1x128xi32, #tpu.memory_space<hbm>> -> memref<1x10x1x128xi32, #tpu.memory_space<hbm>>
    %dma_start3A_19 = tpu.memref_squeeze %dma_start3A_18 : memref<1x10x1x128xi32, #tpu.memory_space<hbm>> -> memref<10x1x128xi32, #tpu.memory_space<hbm>>
    tpu.enqueue_dma source(%dma_start3A_19 : memref<10x1x128xi32, #tpu.memory_space<hbm>>) target(%arg8 : memref<10x1x128xi32, #tpu.memory_space<vmem>>) target_semaphore(%arg15 : memref<!tpu.dma_semaphore, #tpu.memory_space<semaphore_mem>>)
    %mul3A_20 = arith.constant 640 : i32
    %mul3A_21 = arith.muli %arg1, %mul3A_20 : i32
    %dma_start3A_22 = arith.constant 0 : i32
    %dma_start3A_23 = tpu.memref_slice %arg13[%mul3A_21, %dma_start3A_22] : memref<10240x128xf32, #tpu.memory_space<vmem_shared>> -> memref<640x128xf32, #tpu.memory_space<vmem_shared>>
    tpu.enqueue_dma source(%arg5 : memref<640x128xf32, #tpu.memory_space<hbm>>) target(%dma_start3A_23 : memref<640x128xf32, #tpu.memory_space<vmem_shared>>) target_semaphore(%arg16 : memref<!tpu.dma_semaphore, #tpu.memory_space<semaphore_mem>>)
    %dma_wait3A = arith.constant 0 : i32
    %dma_wait3A_24 = arith.constant 0 : i32
    %dma_wait3A_25 = arith.constant 0 : i32
    %dma_wait3A_26 = tpu.memref_slice %arg2[%add3A, %dma_wait3A, %dma_wait3A_24, %dma_wait3A_25] : memref<32x80x1x128xi32, #tpu.memory_space<hbm>> -> memref<1x10x1x128xi32, #tpu.memory_space<hbm>>
    %dma_wait3A_27 = tpu.memref_squeeze %dma_wait3A_26 : memref<1x10x1x128xi32, #tpu.memory_space<hbm>> -> memref<10x1x128xi32, #tpu.memory_space<hbm>>
    %dma_wait3A_28 = arith.constant 0 : i32
    %dma_wait3A_29 = arith.constant 0 : i32
    %dma_wait3A_30 = arith.constant 0 : i32
    %dma_wait3A_31 = tpu.memref_slice %arg2[%add3A, %dma_wait3A_28, %dma_wait3A_29, %dma_wait3A_30] : memref<32x80x1x128xi32, #tpu.memory_space<hbm>> -> memref<1x10x1x128xi32, #tpu.memory_space<hbm>>
    %dma_wait3A_32 = tpu.memref_squeeze %dma_wait3A_31 : memref<1x10x1x128xi32, #tpu.memory_space<hbm>> -> memref<10x1x128xi32, #tpu.memory_space<hbm>>
    tpu.wait_dma2 semaphore(%arg15 : memref<!tpu.dma_semaphore, #tpu.memory_space<semaphore_mem>>) src(%dma_wait3A_32 : memref<10x1x128xi32, #tpu.memory_space<hbm>>) dst(%arg7 : memref<10x1x128xi32, #tpu.memory_space<vmem>>)
    %dma_wait3A_33 = arith.constant 0 : i32
    %dma_wait3A_34 = arith.constant 0 : i32
    %dma_wait3A_35 = arith.constant 0 : i32
    %dma_wait3A_36 = tpu.memref_slice %arg3[%add3A, %dma_wait3A_33, %dma_wait3A_34, %dma_wait3A_35] : memref<32x80x1x128xi32, #tpu.memory_space<hbm>> -> memref<1x10x1x128xi32, #tpu.memory_space<hbm>>
    %dma_wait3A_37 = tpu.memref_squeeze %dma_wait3A_36 : memref<1x10x1x128xi32, #tpu.memory_space<hbm>> -> memref<10x1x128xi32, #tpu.memory_space<hbm>>
    %dma_wait3A_38 = arith.constant 0 : i32
    %dma_wait3A_39 = arith.constant 0 : i32
    %dma_wait3A_40 = arith.constant 0 : i32
    %dma_wait3A_41 = tpu.memref_slice %arg3[%add3A, %dma_wait3A_38, %dma_wait3A_39, %dma_wait3A_40] : memref<32x80x1x128xi32, #tpu.memory_space<hbm>> -> memref<1x10x1x128xi32, #tpu.memory_space<hbm>>
    %dma_wait3A_42 = tpu.memref_squeeze %dma_wait3A_41 : memref<1x10x1x128xi32, #tpu.memory_space<hbm>> -> memref<10x1x128xi32, #tpu.memory_space<hbm>>
    tpu.wait_dma2 semaphore(%arg15 : memref<!tpu.dma_semaphore, #tpu.memory_space<semaphore_mem>>) src(%dma_wait3A_42 : memref<10x1x128xi32, #tpu.memory_space<hbm>>) dst(%arg8 : memref<10x1x128xi32, #tpu.memory_space<vmem>>)
    %dma_wait3A_43 = arith.constant 0 : i32
    %dma_wait3A_44 = tpu.memref_slice %arg13[%mul3A_21, %dma_wait3A_43] : memref<10240x128xf32, #tpu.memory_space<vmem_shared>> -> memref<640x128xf32, #tpu.memory_space<vmem_shared>>
    tpu.wait_dma2 semaphore(%arg16 : memref<!tpu.dma_semaphore, #tpu.memory_space<semaphore_mem>>) src(%arg5 : memref<640x128xf32, #tpu.memory_space<hbm>>) dst(%dma_wait3A_44 : memref<640x128xf32, #tpu.memory_space<vmem_shared>>)
    %barrier3A = arith.constant 0 : index
    tpu.barrier barrier_id(%barrier3A)
    %scan3A = arith.constant 0 : i32
    %scan3A_45 = arith.constant 0 : i32
    %scan3A_46 = arith.constant 8 : i32
    %scan3A_47 = arith.addi %scan3A_45, %scan3A_46 : i32
    %scan3A_48 = arith.constant 1 : i32
    %scan3A_49 = scf.for %scan3A_56 = %scan3A_45 to %scan3A_47 step %scan3A_48 iter_args(%scan3A_57 = %scan3A) -> (i32)  : i32 {
      %jit3A = arith.constant 2 : i32
      %eq3A = arith.constant 0 : i32
      %eq3A_58 = arith.cmpi eq, %jit3A, %eq3A : i32
      %jit3A_59 = arith.constant 1 : i32
      %select_n3A = arith.select %eq3A_58, %jit3A_59, %jit3A : i32
      %rem3A = arith.remsi %scan3A_56, %select_n3A : i32
      %ne3A = arith.constant 0 : i32
      %ne3A_60 = arith.cmpi ne, %rem3A, %ne3A : i32
      %lt3A = arith.constant 0 : i32
      %lt3A_61 = arith.cmpi slt, %rem3A, %lt3A : i32
      %lt3A_62 = arith.constant 0 : i32
      %lt3A_63 = arith.cmpi slt, %select_n3A, %lt3A_62 : i32
      %ne3A_64 = arith.xori %lt3A_61, %lt3A_63 : i1
      %and3A = arith.andi %ne3A_64, %ne3A_60 : i1
      %add3A_65 = arith.addi %rem3A, %select_n3A : i32
      %select_n3A_66 = arith.select %and3A, %add3A_65, %rem3A : i32
      %eq3A_67 = arith.constant 0 : i32
      %eq3A_68 = arith.cmpi eq, %select_n3A_66, %eq3A_67 : i32
      %lt3A_69 = arith.constant 7 : i32
      %lt3A_70 = arith.cmpi slt, %scan3A_56, %lt3A_69 : i32
      %and3A_71 = arith.andi %eq3A_68, %lt3A_70 : i1
      %convert_element_type3A = arith.extui %and3A_71 : i1 to i32
      %cond3A = arith.constant 0 : i32
      %cond3A_72 = arith.cmpi ne, %convert_element_type3A, %cond3A : i32
      scf.if %cond3A_72 {
        %add3A_103 = arith.constant 1 : i32
        %add3A_104 = arith.addi %scan3A_56, %add3A_103 : i32
        %mul3A_105 = arith.constant 10 : i32
        %mul3A_106 = arith.muli %add3A_104, %mul3A_105 : i32
        %dma_start3A_107 = arith.constant 0 : i32
        %dma_start3A_108 = arith.constant 0 : i32
        %dma_start3A_109 = tpu.memref_slice %arg2[%add3A, %mul3A_106, %dma_start3A_107, %dma_start3A_108] : memref<32x80x1x128xi32, #tpu.memory_space<hbm>> -> memref<1x10x1x128xi32, #tpu.memory_space<hbm>>
        %dma_start3A_110 = tpu.memref_squeeze %dma_start3A_109 : memref<1x10x1x128xi32, #tpu.memory_space<hbm>> -> memref<10x1x128xi32, #tpu.memory_space<hbm>>
        %dma_start3A_111 = arith.constant 0 : i32
        %dma_start3A_112 = arith.constant 0 : i32
        %dma_start3A_113 = tpu.memref_slice %arg2[%add3A, %mul3A_106, %dma_start3A_111, %dma_start3A_112] : memref<32x80x1x128xi32, #tpu.memory_space<hbm>> -> memref<1x10x1x128xi32, #tpu.memory_space<hbm>>
        %dma_start3A_114 = tpu.memref_squeeze %dma_start3A_113 : memref<1x10x1x128xi32, #tpu.memory_space<hbm>> -> memref<10x1x128xi32, #tpu.memory_space<hbm>>
        tpu.enqueue_dma source(%dma_start3A_114 : memref<10x1x128xi32, #tpu.memory_space<hbm>>) target(%arg9 : memref<10x1x128xi32, #tpu.memory_space<vmem>>) target_semaphore(%arg15 : memref<!tpu.dma_semaphore, #tpu.memory_space<semaphore_mem>>)
        %dma_start3A_115 = arith.constant 0 : i32
        %dma_start3A_116 = arith.constant 0 : i32
        %dma_start3A_117 = tpu.memref_slice %arg3[%add3A, %mul3A_106, %dma_start3A_115, %dma_start3A_116] : memref<32x80x1x128xi32, #tpu.memory_space<hbm>> -> memref<1x10x1x128xi32, #tpu.memory_space<hbm>>
        %dma_start3A_118 = tpu.memref_squeeze %dma_start3A_117 : memref<1x10x1x128xi32, #tpu.memory_space<hbm>> -> memref<10x1x128xi32, #tpu.memory_space<hbm>>
        %dma_start3A_119 = arith.constant 0 : i32
        %dma_start3A_120 = arith.constant 0 : i32
        %dma_start3A_121 = tpu.memref_slice %arg3[%add3A, %mul3A_106, %dma_start3A_119, %dma_start3A_120] : memref<32x80x1x128xi32, #tpu.memory_space<hbm>> -> memref<1x10x1x128xi32, #tpu.memory_space<hbm>>
        %dma_start3A_122 = tpu.memref_squeeze %dma_start3A_121 : memref<1x10x1x128xi32, #tpu.memory_space<hbm>> -> memref<10x1x128xi32, #tpu.memory_space<hbm>>
        tpu.enqueue_dma source(%dma_start3A_122 : memref<10x1x128xi32, #tpu.memory_space<hbm>>) target(%arg10 : memref<10x1x128xi32, #tpu.memory_space<vmem>>) target_semaphore(%arg15 : memref<!tpu.dma_semaphore, #tpu.memory_space<semaphore_mem>>)
      } else {
      }
      %not3A = arith.constant true
      %not3A_73 = arith.xori %eq3A_68, %not3A : i1
      %lt3A_74 = arith.constant 7 : i32
      %lt3A_75 = arith.cmpi slt, %scan3A_56, %lt3A_74 : i32
      %and3A_76 = arith.andi %not3A_73, %lt3A_75 : i1
      %convert_element_type3A_77 = arith.extui %and3A_76 : i1 to i32
      %cond3A_78 = arith.constant 0 : i32
      %cond3A_79 = arith.cmpi ne, %convert_element_type3A_77, %cond3A_78 : i32
      scf.if %cond3A_79 {
        %add3A_103 = arith.constant 1 : i32
        %add3A_104 = arith.addi %scan3A_56, %add3A_103 : i32
        %mul3A_105 = arith.constant 10 : i32
        %mul3A_106 = arith.muli %add3A_104, %mul3A_105 : i32
        %dma_start3A_107 = arith.constant 0 : i32
        %dma_start3A_108 = arith.constant 0 : i32
        %dma_start3A_109 = tpu.memref_slice %arg2[%add3A, %mul3A_106, %dma_start3A_107, %dma_start3A_108] : memref<32x80x1x128xi32, #tpu.memory_space<hbm>> -> memref<1x10x1x128xi32, #tpu.memory_space<hbm>>
        %dma_start3A_110 = tpu.memref_squeeze %dma_start3A_109 : memref<1x10x1x128xi32, #tpu.memory_space<hbm>> -> memref<10x1x128xi32, #tpu.memory_space<hbm>>
        %dma_start3A_111 = arith.constant 0 : i32
        %dma_start3A_112 = arith.constant 0 : i32
        %dma_start3A_113 = tpu.memref_slice %arg2[%add3A, %mul3A_106, %dma_start3A_111, %dma_start3A_112] : memref<32x80x1x128xi32, #tpu.memory_space<hbm>> -> memref<1x10x1x128xi32, #tpu.memory_space<hbm>>
        %dma_start3A_114 = tpu.memref_squeeze %dma_start3A_113 : memref<1x10x1x128xi32, #tpu.memory_space<hbm>> -> memref<10x1x128xi32, #tpu.memory_space<hbm>>
        tpu.enqueue_dma source(%dma_start3A_114 : memref<10x1x128xi32, #tpu.memory_space<hbm>>) target(%arg7 : memref<10x1x128xi32, #tpu.memory_space<vmem>>) target_semaphore(%arg15 : memref<!tpu.dma_semaphore, #tpu.memory_space<semaphore_mem>>)
        %dma_start3A_115 = arith.constant 0 : i32
        %dma_start3A_116 = arith.constant 0 : i32
        %dma_start3A_117 = tpu.memref_slice %arg3[%add3A, %mul3A_106, %dma_start3A_115, %dma_start3A_116] : memref<32x80x1x128xi32, #tpu.memory_space<hbm>> -> memref<1x10x1x128xi32, #tpu.memory_space<hbm>>
        %dma_start3A_118 = tpu.memref_squeeze %dma_start3A_117 : memref<1x10x1x128xi32, #tpu.memory_space<hbm>> -> memref<10x1x128xi32, #tpu.memory_space<hbm>>
        %dma_start3A_119 = arith.constant 0 : i32
        %dma_start3A_120 = arith.constant 0 : i32
        %dma_start3A_121 = tpu.memref_slice %arg3[%add3A, %mul3A_106, %dma_start3A_119, %dma_start3A_120] : memref<32x80x1x128xi32, #tpu.memory_space<hbm>> -> memref<1x10x1x128xi32, #tpu.memory_space<hbm>>
        %dma_start3A_122 = tpu.memref_squeeze %dma_start3A_121 : memref<1x10x1x128xi32, #tpu.memory_space<hbm>> -> memref<10x1x128xi32, #tpu.memory_space<hbm>>
        tpu.enqueue_dma source(%dma_start3A_122 : memref<10x1x128xi32, #tpu.memory_space<hbm>>) target(%arg8 : memref<10x1x128xi32, #tpu.memory_space<vmem>>) target_semaphore(%arg15 : memref<!tpu.dma_semaphore, #tpu.memory_space<semaphore_mem>>)
      } else {
      }
      %convert_element_type3A_80 = arith.extui %eq3A_68 : i1 to i32
      %cond3A_81 = arith.constant 0 : i32
      %cond3A_82 = arith.cmpi ne, %convert_element_type3A_80, %cond3A_81 : i32
      scf.if %cond3A_82 {
        %dma_start3A_103 = arith.constant 0 : i32
        %dma_start3A_104 = arith.constant 0 : i32
        %dma_start3A_105 = arith.constant 0 : i32
        %dma_start3A_106 = tpu.memref_slice %arg7[%dma_start3A_103, %dma_start3A_104, %dma_start3A_105] : memref<10x1x128xi32, #tpu.memory_space<vmem>> -> memref<1x1x128xi32, #tpu.memory_space<vmem>>
        %dma_start3A_107 = tpu.memref_squeeze %dma_start3A_106 : memref<1x1x128xi32, #tpu.memory_space<vmem>> -> memref<128xi32, #tpu.memory_space<vmem>>
        %dma_start3A_108 = arith.constant 0 : i32
        %dma_start3A_109 = arith.constant 0 : i32
        %dma_start3A_110 = tpu.memref_slice %arg4[%dma_start3A_108, %dma_start3A_109] : memref<10000x128xf32, #tpu.memory_space<hbm>> -> memref<10000x128xf32, #tpu.memory_space<hbm>>
        tpu.enqueue_indirect_dma source(%dma_start3A_110 : memref<10000x128xf32, #tpu.memory_space<hbm>>) target(%arg11 : memref<128x128xf32, #tpu.memory_space<vmem>>) offsets(%dma_start3A_107 : memref<128xi32, #tpu.memory_space<vmem>>) semaphore(%arg14 : memref<!tpu.dma_semaphore, #tpu.memory_space<semaphore_mem>>)
        %dma_start3A_111 = arith.constant 1 : i32
        %dma_start3A_112 = arith.constant 0 : i32
        %dma_start3A_113 = arith.constant 0 : i32
        %dma_start3A_114 = tpu.memref_slice %arg7[%dma_start3A_111, %dma_start3A_112, %dma_start3A_113] : memref<10x1x128xi32, #tpu.memory_space<vmem>> -> memref<1x1x128xi32, #tpu.memory_space<vmem>>
        %dma_start3A_115 = tpu.memref_squeeze %dma_start3A_114 : memref<1x1x128xi32, #tpu.memory_space<vmem>> -> memref<128xi32, #tpu.memory_space<vmem>>
        %dma_start3A_116 = arith.constant 0 : i32
        %dma_start3A_117 = arith.constant 0 : i32
        %dma_start3A_118 = tpu.memref_slice %arg4[%dma_start3A_116, %dma_start3A_117] : memref<10000x128xf32, #tpu.memory_space<hbm>> -> memref<10000x128xf32, #tpu.memory_space<hbm>>
        tpu.enqueue_indirect_dma source(%dma_start3A_118 : memref<10000x128xf32, #tpu.memory_space<hbm>>) target(%arg12 : memref<128x128xf32, #tpu.memory_space<vmem>>) offsets(%dma_start3A_115 : memref<128xi32, #tpu.memory_space<vmem>>) semaphore(%arg14 : memref<!tpu.dma_semaphore, #tpu.memory_space<semaphore_mem>>)
        %scan3A_119 = arith.constant 0 : i32
        %scan3A_120 = arith.constant 0 : i32
        %scan3A_121 = arith.constant 4 : i32
        %scan3A_122 = arith.addi %scan3A_120, %scan3A_121 : i32
        %scan3A_123 = arith.constant 1 : i32
        %scan3A_124 = scf.for %scan3A_174 = %scan3A_120 to %scan3A_122 step %scan3A_123 iter_args(%scan3A_175 = %scan3A_119) -> (i32)  : i32 {
          %dma_wait3A_176 = arith.constant 0 : i32
          %dma_wait3A_177 = arith.constant 0 : i32
          %dma_wait3A_178 = arith.constant 0 : i32
          %dma_wait3A_179 = tpu.memref_slice %arg7[%dma_wait3A_176, %dma_wait3A_177, %dma_wait3A_178] : memref<10x1x128xi32, #tpu.memory_space<vmem>> -> memref<1x1x128xi32, #tpu.memory_space<vmem>>
          %dma_wait3A_180 = tpu.memref_squeeze %dma_wait3A_179 : memref<1x1x128xi32, #tpu.memory_space<vmem>> -> memref<128xi32, #tpu.memory_space<vmem>>
          %dma_wait3A_181 = arith.constant 0 : i32
          %dma_wait3A_182 = arith.constant 0 : i32
          %dma_wait3A_183 = tpu.memref_slice %arg4[%dma_wait3A_181, %dma_wait3A_182] : memref<10000x128xf32, #tpu.memory_space<hbm>> -> memref<10000x128xf32, #tpu.memory_space<hbm>>
          tpu.wait_indirect_dma semaphore(%arg14 : memref<!tpu.dma_semaphore, #tpu.memory_space<semaphore_mem>>) src(%dma_wait3A_183 : memref<10000x128xf32, #tpu.memory_space<hbm>>) dst(%arg11 : memref<128x128xf32, #tpu.memory_space<vmem>>)
          %mul3A_184 = arith.constant 2 : i32
          %mul3A_185 = arith.muli %mul3A_184, %scan3A_174 : i32
          %dma_start3A_186 = arith.constant 0 : i32
          %dma_start3A_187 = arith.constant 0 : i32
          %dma_start3A_188 = tpu.memref_slice %arg8[%mul3A_185, %dma_start3A_186, %dma_start3A_187] : memref<10x1x128xi32, #tpu.memory_space<vmem>> -> memref<1x1x128xi32, #tpu.memory_space<vmem>>
          %dma_start3A_189 = tpu.memref_squeeze %dma_start3A_188 : memref<1x1x128xi32, #tpu.memory_space<vmem>> -> memref<128xi32, #tpu.memory_space<vmem>>
          %dma_start3A_190 = arith.constant 0 : i32
          %dma_start3A_191 = arith.constant 0 : i32
          %dma_start3A_192 = tpu.memref_slice %arg13[%dma_start3A_190, %dma_start3A_191] : memref<10240x128xf32, #tpu.memory_space<vmem_shared>> -> memref<10240x128xf32, #tpu.memory_space<vmem_shared>>
          tpu.enqueue_indirect_dma source(%arg11 : memref<128x128xf32, #tpu.memory_space<vmem>>) target(%dma_start3A_192 : memref<10240x128xf32, #tpu.memory_space<vmem_shared>>) offsets(%dma_start3A_189 : memref<128xi32, #tpu.memory_space<vmem>>) semaphore(%arg16 : memref<!tpu.dma_semaphore, #tpu.memory_space<semaphore_mem>>) {add = true}
          %dma_wait3A_193 = arith.constant 0 : i32
          %dma_wait3A_194 = arith.constant 0 : i32
          %dma_wait3A_195 = arith.constant 0 : i32
          %dma_wait3A_196 = tpu.memref_slice %arg7[%dma_wait3A_193, %dma_wait3A_194, %dma_wait3A_195] : memref<10x1x128xi32, #tpu.memory_space<vmem>> -> memref<1x1x128xi32, #tpu.memory_space<vmem>>
          %dma_wait3A_197 = tpu.memref_squeeze %dma_wait3A_196 : memref<1x1x128xi32, #tpu.memory_space<vmem>> -> memref<128xi32, #tpu.memory_space<vmem>>
          %dma_wait3A_198 = arith.constant 0 : i32
          %dma_wait3A_199 = arith.constant 0 : i32
          %dma_wait3A_200 = tpu.memref_slice %arg4[%dma_wait3A_198, %dma_wait3A_199] : memref<10000x128xf32, #tpu.memory_space<hbm>> -> memref<10000x128xf32, #tpu.memory_space<hbm>>
          tpu.wait_indirect_dma semaphore(%arg14 : memref<!tpu.dma_semaphore, #tpu.memory_space<semaphore_mem>>) src(%dma_wait3A_200 : memref<10000x128xf32, #tpu.memory_space<hbm>>) dst(%arg12 : memref<128x128xf32, #tpu.memory_space<vmem>>)
          %mul3A_201 = arith.constant 2 : i32
          %mul3A_202 = arith.muli %mul3A_201, %scan3A_174 : i32
          %add3A_203 = arith.constant 1 : i32
          %add3A_204 = arith.addi %mul3A_202, %add3A_203 : i32
          %dma_start3A_205 = arith.constant 0 : i32
          %dma_start3A_206 = arith.constant 0 : i32
          %dma_start3A_207 = tpu.memref_slice %arg8[%add3A_204, %dma_start3A_205, %dma_start3A_206] : memref<10x1x128xi32, #tpu.memory_space<vmem>> -> memref<1x1x128xi32, #tpu.memory_space<vmem>>
          %dma_start3A_208 = tpu.memref_squeeze %dma_start3A_207 : memref<1x1x128xi32, #tpu.memory_space<vmem>> -> memref<128xi32, #tpu.memory_space<vmem>>
          %dma_start3A_209 = arith.constant 0 : i32
          %dma_start3A_210 = arith.constant 0 : i32
          %dma_start3A_211 = tpu.memref_slice %arg13[%dma_start3A_209, %dma_start3A_210] : memref<10240x128xf32, #tpu.memory_space<vmem_shared>> -> memref<10240x128xf32, #tpu.memory_space<vmem_shared>>
          tpu.enqueue_indirect_dma source(%arg12 : memref<128x128xf32, #tpu.memory_space<vmem>>) target(%dma_start3A_211 : memref<10240x128xf32, #tpu.memory_space<vmem_shared>>) offsets(%dma_start3A_208 : memref<128xi32, #tpu.memory_space<vmem>>) semaphore(%arg16 : memref<!tpu.dma_semaphore, #tpu.memory_space<semaphore_mem>>) {add = true}
          %dma_wait3A_212 = arith.constant 0 : i32
          %dma_wait3A_213 = arith.constant 0 : i32
          %dma_wait3A_214 = arith.constant 0 : i32
          %dma_wait3A_215 = tpu.memref_slice %arg8[%dma_wait3A_212, %dma_wait3A_213, %dma_wait3A_214] : memref<10x1x128xi32, #tpu.memory_space<vmem>> -> memref<1x1x128xi32, #tpu.memory_space<vmem>>
          %dma_wait3A_216 = tpu.memref_squeeze %dma_wait3A_215 : memref<1x1x128xi32, #tpu.memory_space<vmem>> -> memref<128xi32, #tpu.memory_space<vmem>>
          %dma_wait3A_217 = arith.constant 0 : i32
          %dma_wait3A_218 = arith.constant 0 : i32
          %dma_wait3A_219 = tpu.memref_slice %arg13[%dma_wait3A_217, %dma_wait3A_218] : memref<10240x128xf32, #tpu.memory_space<vmem_shared>> -> memref<10240x128xf32, #tpu.memory_space<vmem_shared>>
          tpu.wait_indirect_dma semaphore(%arg16 : memref<!tpu.dma_semaphore, #tpu.memory_space<semaphore_mem>>) src(%arg11 : memref<128x128xf32, #tpu.memory_space<vmem>>) dst(%dma_wait3A_219 : memref<10240x128xf32, #tpu.memory_space<vmem_shared>>)
          %mul3A_220 = arith.constant 2 : i32
          %mul3A_221 = arith.muli %mul3A_220, %scan3A_174 : i32
          %add3A_222 = arith.constant 2 : i32
          %add3A_223 = arith.addi %mul3A_221, %add3A_222 : i32
          %dma_start3A_224 = arith.constant 0 : i32
          %dma_start3A_225 = arith.constant 0 : i32
          %dma_start3A_226 = tpu.memref_slice %arg7[%add3A_223, %dma_start3A_224, %dma_start3A_225] : memref<10x1x128xi32, #tpu.memory_space<vmem>> -> memref<1x1x128xi32, #tpu.memory_space<vmem>>
          %dma_start3A_227 = tpu.memref_squeeze %dma_start3A_226 : memref<1x1x128xi32, #tpu.memory_space<vmem>> -> memref<128xi32, #tpu.memory_space<vmem>>
          %dma_start3A_228 = arith.constant 0 : i32
          %dma_start3A_229 = arith.constant 0 : i32
          %dma_start3A_230 = tpu.memref_slice %arg4[%dma_start3A_228, %dma_start3A_229] : memref<10000x128xf32, #tpu.memory_space<hbm>> -> memref<10000x128xf32, #tpu.memory_space<hbm>>
          tpu.enqueue_indirect_dma source(%dma_start3A_230 : memref<10000x128xf32, #tpu.memory_space<hbm>>) target(%arg11 : memref<128x128xf32, #tpu.memory_space<vmem>>) offsets(%dma_start3A_227 : memref<128xi32, #tpu.memory_space<vmem>>) semaphore(%arg14 : memref<!tpu.dma_semaphore, #tpu.memory_space<semaphore_mem>>)
          %dma_wait3A_231 = arith.constant 0 : i32
          %dma_wait3A_232 = arith.constant 0 : i32
          %dma_wait3A_233 = arith.constant 0 : i32
          %dma_wait3A_234 = tpu.memref_slice %arg8[%dma_wait3A_231, %dma_wait3A_232, %dma_wait3A_233] : memref<10x1x128xi32, #tpu.memory_space<vmem>> -> memref<1x1x128xi32, #tpu.memory_space<vmem>>
          %dma_wait3A_235 = tpu.memref_squeeze %dma_wait3A_234 : memref<1x1x128xi32, #tpu.memory_space<vmem>> -> memref<128xi32, #tpu.memory_space<vmem>>
          %dma_wait3A_236 = arith.constant 0 : i32
          %dma_wait3A_237 = arith.constant 0 : i32
          %dma_wait3A_238 = tpu.memref_slice %arg13[%dma_wait3A_236, %dma_wait3A_237] : memref<10240x128xf32, #tpu.memory_space<vmem_shared>> -> memref<10240x128xf32, #tpu.memory_space<vmem_shared>>
          tpu.wait_indirect_dma semaphore(%arg16 : memref<!tpu.dma_semaphore, #tpu.memory_space<semaphore_mem>>) src(%arg12 : memref<128x128xf32, #tpu.memory_space<vmem>>) dst(%dma_wait3A_238 : memref<10240x128xf32, #tpu.memory_space<vmem_shared>>)
          %mul3A_239 = arith.constant 2 : i32
          %mul3A_240 = arith.muli %mul3A_239, %scan3A_174 : i32
          %add3A_241 = arith.constant 3 : i32
          %add3A_242 = arith.addi %mul3A_240, %add3A_241 : i32
          %dma_start3A_243 = arith.constant 0 : i32
          %dma_start3A_244 = arith.constant 0 : i32
          %dma_start3A_245 = tpu.memref_slice %arg7[%add3A_242, %dma_start3A_243, %dma_start3A_244] : memref<10x1x128xi32, #tpu.memory_space<vmem>> -> memref<1x1x128xi32, #tpu.memory_space<vmem>>
          %dma_start3A_246 = tpu.memref_squeeze %dma_start3A_245 : memref<1x1x128xi32, #tpu.memory_space<vmem>> -> memref<128xi32, #tpu.memory_space<vmem>>
          %dma_start3A_247 = arith.constant 0 : i32
          %dma_start3A_248 = arith.constant 0 : i32
          %dma_start3A_249 = tpu.memref_slice %arg4[%dma_start3A_247, %dma_start3A_248] : memref<10000x128xf32, #tpu.memory_space<hbm>> -> memref<10000x128xf32, #tpu.memory_space<hbm>>
          tpu.enqueue_indirect_dma source(%dma_start3A_249 : memref<10000x128xf32, #tpu.memory_space<hbm>>) target(%arg12 : memref<128x128xf32, #tpu.memory_space<vmem>>) offsets(%dma_start3A_246 : memref<128xi32, #tpu.memory_space<vmem>>) semaphore(%arg14 : memref<!tpu.dma_semaphore, #tpu.memory_space<semaphore_mem>>)
          %scan3A_250 = arith.constant 0 : i32
          scf.yield %scan3A_250 : i32
        }
        %scan3A_125 = arith.constant 4 : i32
        %dma_wait3A_126 = arith.constant 0 : i32
        %dma_wait3A_127 = arith.constant 0 : i32
        %dma_wait3A_128 = arith.constant 0 : i32
        %dma_wait3A_129 = tpu.memref_slice %arg7[%dma_wait3A_126, %dma_wait3A_127, %dma_wait3A_128] : memref<10x1x128xi32, #tpu.memory_space<vmem>> -> memref<1x1x128xi32, #tpu.memory_space<vmem>>
        %dma_wait3A_130 = tpu.memref_squeeze %dma_wait3A_129 : memref<1x1x128xi32, #tpu.memory_space<vmem>> -> memref<128xi32, #tpu.memory_space<vmem>>
        %dma_wait3A_131 = arith.constant 0 : i32
        %dma_wait3A_132 = arith.constant 0 : i32
        %dma_wait3A_133 = tpu.memref_slice %arg4[%dma_wait3A_131, %dma_wait3A_132] : memref<10000x128xf32, #tpu.memory_space<hbm>> -> memref<10000x128xf32, #tpu.memory_space<hbm>>
        tpu.wait_indirect_dma semaphore(%arg14 : memref<!tpu.dma_semaphore, #tpu.memory_space<semaphore_mem>>) src(%dma_wait3A_133 : memref<10000x128xf32, #tpu.memory_space<hbm>>) dst(%arg11 : memref<128x128xf32, #tpu.memory_space<vmem>>)
        %dma_start3A_134 = arith.constant 8 : i32
        %dma_start3A_135 = arith.constant 0 : i32
        %dma_start3A_136 = arith.constant 0 : i32
        %dma_start3A_137 = tpu.memref_slice %arg8[%dma_start3A_134, %dma_start3A_135, %dma_start3A_136] : memref<10x1x128xi32, #tpu.memory_space<vmem>> -> memref<1x1x128xi32, #tpu.memory_space<vmem>>
        %dma_start3A_138 = tpu.memref_squeeze %dma_start3A_137 : memref<1x1x128xi32, #tpu.memory_space<vmem>> -> memref<128xi32, #tpu.memory_space<vmem>>
        %dma_start3A_139 = arith.constant 0 : i32
        %dma_start3A_140 = arith.constant 0 : i32
        %dma_start3A_141 = tpu.memref_slice %arg13[%dma_start3A_139, %dma_start3A_140] : memref<10240x128xf32, #tpu.memory_space<vmem_shared>> -> memref<10240x128xf32, #tpu.memory_space<vmem_shared>>
        tpu.enqueue_indirect_dma source(%arg11 : memref<128x128xf32, #tpu.memory_space<vmem>>) target(%dma_start3A_141 : memref<10240x128xf32, #tpu.memory_space<vmem_shared>>) offsets(%dma_start3A_138 : memref<128xi32, #tpu.memory_space<vmem>>) semaphore(%arg16 : memref<!tpu.dma_semaphore, #tpu.memory_space<semaphore_mem>>) {add = true}
        %dma_wait3A_142 = arith.constant 0 : i32
        %dma_wait3A_143 = arith.constant 0 : i32
        %dma_wait3A_144 = arith.constant 0 : i32
        %dma_wait3A_145 = tpu.memref_slice %arg7[%dma_wait3A_142, %dma_wait3A_143, %dma_wait3A_144] : memref<10x1x128xi32, #tpu.memory_space<vmem>> -> memref<1x1x128xi32, #tpu.memory_space<vmem>>
        %dma_wait3A_146 = tpu.memref_squeeze %dma_wait3A_145 : memref<1x1x128xi32, #tpu.memory_space<vmem>> -> memref<128xi32, #tpu.memory_space<vmem>>
        %dma_wait3A_147 = arith.constant 0 : i32
        %dma_wait3A_148 = arith.constant 0 : i32
        %dma_wait3A_149 = tpu.memref_slice %arg4[%dma_wait3A_147, %dma_wait3A_148] : memref<10000x128xf32, #tpu.memory_space<hbm>> -> memref<10000x128xf32, #tpu.memory_space<hbm>>
        tpu.wait_indirect_dma semaphore(%arg14 : memref<!tpu.dma_semaphore, #tpu.memory_space<semaphore_mem>>) src(%dma_wait3A_149 : memref<10000x128xf32, #tpu.memory_space<hbm>>) dst(%arg12 : memref<128x128xf32, #tpu.memory_space<vmem>>)
        %dma_start3A_150 = arith.constant 9 : i32
        %dma_start3A_151 = arith.constant 0 : i32
        %dma_start3A_152 = arith.constant 0 : i32
        %dma_start3A_153 = tpu.memref_slice %arg8[%dma_start3A_150, %dma_start3A_151, %dma_start3A_152] : memref<10x1x128xi32, #tpu.memory_space<vmem>> -> memref<1x1x128xi32, #tpu.memory_space<vmem>>
        %dma_start3A_154 = tpu.memref_squeeze %dma_start3A_153 : memref<1x1x128xi32, #tpu.memory_space<vmem>> -> memref<128xi32, #tpu.memory_space<vmem>>
        %dma_start3A_155 = arith.constant 0 : i32
        %dma_start3A_156 = arith.constant 0 : i32
        %dma_start3A_157 = tpu.memref_slice %arg13[%dma_start3A_155, %dma_start3A_156] : memref<10240x128xf32, #tpu.memory_space<vmem_shared>> -> memref<10240x128xf32, #tpu.memory_space<vmem_shared>>
        tpu.enqueue_indirect_dma source(%arg12 : memref<128x128xf32, #tpu.memory_space<vmem>>) target(%dma_start3A_157 : memref<10240x128xf32, #tpu.memory_space<vmem_shared>>) offsets(%dma_start3A_154 : memref<128xi32, #tpu.memory_space<vmem>>) semaphore(%arg16 : memref<!tpu.dma_semaphore, #tpu.memory_space<semaphore_mem>>) {add = true}
        %dma_wait3A_158 = arith.constant 0 : i32
        %dma_wait3A_159 = arith.constant 0 : i32
        %dma_wait3A_160 = arith.constant 0 : i32
        %dma_wait3A_161 = tpu.memref_slice %arg8[%dma_wait3A_158, %dma_wait3A_159, %dma_wait3A_160] : memref<10x1x128xi32, #tpu.memory_space<vmem>> -> memref<1x1x128xi32, #tpu.memory_space<vmem>>
        %dma_wait3A_162 = tpu.memref_squeeze %dma_wait3A_161 : memref<1x1x128xi32, #tpu.memory_space<vmem>> -> memref<128xi32, #tpu.memory_space<vmem>>
        %dma_wait3A_163 = arith.constant 0 : i32
        %dma_wait3A_164 = arith.constant 0 : i32
        %dma_wait3A_165 = tpu.memref_slice %arg13[%dma_wait3A_163, %dma_wait3A_164] : memref<10240x128xf32, #tpu.memory_space<vmem_shared>> -> memref<10240x128xf32, #tpu.memory_space<vmem_shared>>
        tpu.wait_indirect_dma semaphore(%arg16 : memref<!tpu.dma_semaphore, #tpu.memory_space<semaphore_mem>>) src(%arg11 : memref<128x128xf32, #tpu.memory_space<vmem>>) dst(%dma_wait3A_165 : memref<10240x128xf32, #tpu.memory_space<vmem_shared>>)
        %dma_wait3A_166 = arith.constant 0 : i32
        %dma_wait3A_167 = arith.constant 0 : i32
        %dma_wait3A_168 = arith.constant 0 : i32
        %dma_wait3A_169 = tpu.memref_slice %arg8[%dma_wait3A_166, %dma_wait3A_167, %dma_wait3A_168] : memref<10x1x128xi32, #tpu.memory_space<vmem>> -> memref<1x1x128xi32, #tpu.memory_space<vmem>>
        %dma_wait3A_170 = tpu.memref_squeeze %dma_wait3A_169 : memref<1x1x128xi32, #tpu.memory_space<vmem>> -> memref<128xi32, #tpu.memory_space<vmem>>
        %dma_wait3A_171 = arith.constant 0 : i32
        %dma_wait3A_172 = arith.constant 0 : i32
        %dma_wait3A_173 = tpu.memref_slice %arg13[%dma_wait3A_171, %dma_wait3A_172] : memref<10240x128xf32, #tpu.memory_space<vmem_shared>> -> memref<10240x128xf32, #tpu.memory_space<vmem_shared>>
        tpu.wait_indirect_dma semaphore(%arg16 : memref<!tpu.dma_semaphore, #tpu.memory_space<semaphore_mem>>) src(%arg12 : memref<128x128xf32, #tpu.memory_space<vmem>>) dst(%dma_wait3A_173 : memref<10240x128xf32, #tpu.memory_space<vmem_shared>>)
      } else {
      }
      %not3A_83 = arith.constant true
      %not3A_84 = arith.xori %eq3A_68, %not3A_83 : i1
      %convert_element_type3A_85 = arith.extui %not3A_84 : i1 to i32
      %cond3A_86 = arith.constant 0 : i32
      %cond3A_87 = arith.cmpi ne, %convert_element_type3A_85, %cond3A_86 : i32
      scf.if %cond3A_87 {
        %dma_start3A_103 = arith.constant 0 : i32
        %dma_start3A_104 = arith.constant 0 : i32
        %dma_start3A_105 = arith.constant 0 : i32
        %dma_start3A_106 = tpu.memref_slice %arg9[%dma_start3A_103, %dma_start3A_104, %dma_start3A_105] : memref<10x1x128xi32, #tpu.memory_space<vmem>> -> memref<1x1x128xi32, #tpu.memory_space<vmem>>
        %dma_start3A_107 = tpu.memref_squeeze %dma_start3A_106 : memref<1x1x128xi32, #tpu.memory_space<vmem>> -> memref<128xi32, #tpu.memory_space<vmem>>
        %dma_start3A_108 = arith.constant 0 : i32
        %dma_start3A_109 = arith.constant 0 : i32
        %dma_start3A_110 = tpu.memref_slice %arg4[%dma_start3A_108, %dma_start3A_109] : memref<10000x128xf32, #tpu.memory_space<hbm>> -> memref<10000x128xf32, #tpu.memory_space<hbm>>
        tpu.enqueue_indirect_dma source(%dma_start3A_110 : memref<10000x128xf32, #tpu.memory_space<hbm>>) target(%arg11 : memref<128x128xf32, #tpu.memory_space<vmem>>) offsets(%dma_start3A_107 : memref<128xi32, #tpu.memory_space<vmem>>) semaphore(%arg14 : memref<!tpu.dma_semaphore, #tpu.memory_space<semaphore_mem>>)
        %dma_start3A_111 = arith.constant 1 : i32
        %dma_start3A_112 = arith.constant 0 : i32
        %dma_start3A_113 = arith.constant 0 : i32
        %dma_start3A_114 = tpu.memref_slice %arg9[%dma_start3A_111, %dma_start3A_112, %dma_start3A_113] : memref<10x1x128xi32, #tpu.memory_space<vmem>> -> memref<1x1x128xi32, #tpu.memory_space<vmem>>
        %dma_start3A_115 = tpu.memref_squeeze %dma_start3A_114 : memref<1x1x128xi32, #tpu.memory_space<vmem>> -> memref<128xi32, #tpu.memory_space<vmem>>
        %dma_start3A_116 = arith.constant 0 : i32
        %dma_start3A_117 = arith.constant 0 : i32
        %dma_start3A_118 = tpu.memref_slice %arg4[%dma_start3A_116, %dma_start3A_117] : memref<10000x128xf32, #tpu.memory_space<hbm>> -> memref<10000x128xf32, #tpu.memory_space<hbm>>
        tpu.enqueue_indirect_dma source(%dma_start3A_118 : memref<10000x128xf32, #tpu.memory_space<hbm>>) target(%arg12 : memref<128x128xf32, #tpu.memory_space<vmem>>) offsets(%dma_start3A_115 : memref<128xi32, #tpu.memory_space<vmem>>) semaphore(%arg14 : memref<!tpu.dma_semaphore, #tpu.memory_space<semaphore_mem>>)
        %scan3A_119 = arith.constant 0 : i32
        %scan3A_120 = arith.constant 0 : i32
        %scan3A_121 = arith.constant 4 : i32
        %scan3A_122 = arith.addi %scan3A_120, %scan3A_121 : i32
        %scan3A_123 = arith.constant 1 : i32
        %scan3A_124 = scf.for %scan3A_174 = %scan3A_120 to %scan3A_122 step %scan3A_123 iter_args(%scan3A_175 = %scan3A_119) -> (i32)  : i32 {
          %dma_wait3A_176 = arith.constant 0 : i32
          %dma_wait3A_177 = arith.constant 0 : i32
          %dma_wait3A_178 = arith.constant 0 : i32
          %dma_wait3A_179 = tpu.memref_slice %arg9[%dma_wait3A_176, %dma_wait3A_177, %dma_wait3A_178] : memref<10x1x128xi32, #tpu.memory_space<vmem>> -> memref<1x1x128xi32, #tpu.memory_space<vmem>>
          %dma_wait3A_180 = tpu.memref_squeeze %dma_wait3A_179 : memref<1x1x128xi32, #tpu.memory_space<vmem>> -> memref<128xi32, #tpu.memory_space<vmem>>
          %dma_wait3A_181 = arith.constant 0 : i32
          %dma_wait3A_182 = arith.constant 0 : i32
          %dma_wait3A_183 = tpu.memref_slice %arg4[%dma_wait3A_181, %dma_wait3A_182] : memref<10000x128xf32, #tpu.memory_space<hbm>> -> memref<10000x128xf32, #tpu.memory_space<hbm>>
          tpu.wait_indirect_dma semaphore(%arg14 : memref<!tpu.dma_semaphore, #tpu.memory_space<semaphore_mem>>) src(%dma_wait3A_183 : memref<10000x128xf32, #tpu.memory_space<hbm>>) dst(%arg11 : memref<128x128xf32, #tpu.memory_space<vmem>>)
          %mul3A_184 = arith.constant 2 : i32
          %mul3A_185 = arith.muli %mul3A_184, %scan3A_174 : i32
          %dma_start3A_186 = arith.constant 0 : i32
          %dma_start3A_187 = arith.constant 0 : i32
          %dma_start3A_188 = tpu.memref_slice %arg10[%mul3A_185, %dma_start3A_186, %dma_start3A_187] : memref<10x1x128xi32, #tpu.memory_space<vmem>> -> memref<1x1x128xi32, #tpu.memory_space<vmem>>
          %dma_start3A_189 = tpu.memref_squeeze %dma_start3A_188 : memref<1x1x128xi32, #tpu.memory_space<vmem>> -> memref<128xi32, #tpu.memory_space<vmem>>
          %dma_start3A_190 = arith.constant 0 : i32
          %dma_start3A_191 = arith.constant 0 : i32
          %dma_start3A_192 = tpu.memref_slice %arg13[%dma_start3A_190, %dma_start3A_191] : memref<10240x128xf32, #tpu.memory_space<vmem_shared>> -> memref<10240x128xf32, #tpu.memory_space<vmem_shared>>
          tpu.enqueue_indirect_dma source(%arg11 : memref<128x128xf32, #tpu.memory_space<vmem>>) target(%dma_start3A_192 : memref<10240x128xf32, #tpu.memory_space<vmem_shared>>) offsets(%dma_start3A_189 : memref<128xi32, #tpu.memory_space<vmem>>) semaphore(%arg16 : memref<!tpu.dma_semaphore, #tpu.memory_space<semaphore_mem>>) {add = true}
          %dma_wait3A_193 = arith.constant 0 : i32
          %dma_wait3A_194 = arith.constant 0 : i32
          %dma_wait3A_195 = arith.constant 0 : i32
          %dma_wait3A_196 = tpu.memref_slice %arg9[%dma_wait3A_193, %dma_wait3A_194, %dma_wait3A_195] : memref<10x1x128xi32, #tpu.memory_space<vmem>> -> memref<1x1x128xi32, #tpu.memory_space<vmem>>
          %dma_wait3A_197 = tpu.memref_squeeze %dma_wait3A_196 : memref<1x1x128xi32, #tpu.memory_space<vmem>> -> memref<128xi32, #tpu.memory_space<vmem>>
          %dma_wait3A_198 = arith.constant 0 : i32
          %dma_wait3A_199 = arith.constant 0 : i32
          %dma_wait3A_200 = tpu.memref_slice %arg4[%dma_wait3A_198, %dma_wait3A_199] : memref<10000x128xf32, #tpu.memory_space<hbm>> -> memref<10000x128xf32, #tpu.memory_space<hbm>>
          tpu.wait_indirect_dma semaphore(%arg14 : memref<!tpu.dma_semaphore, #tpu.memory_space<semaphore_mem>>) src(%dma_wait3A_200 : memref<10000x128xf32, #tpu.memory_space<hbm>>) dst(%arg12 : memref<128x128xf32, #tpu.memory_space<vmem>>)
          %mul3A_201 = arith.constant 2 : i32
          %mul3A_202 = arith.muli %mul3A_201, %scan3A_174 : i32
          %add3A_203 = arith.constant 1 : i32
          %add3A_204 = arith.addi %mul3A_202, %add3A_203 : i32
          %dma_start3A_205 = arith.constant 0 : i32
          %dma_start3A_206 = arith.constant 0 : i32
          %dma_start3A_207 = tpu.memref_slice %arg10[%add3A_204, %dma_start3A_205, %dma_start3A_206] : memref<10x1x128xi32, #tpu.memory_space<vmem>> -> memref<1x1x128xi32, #tpu.memory_space<vmem>>
          %dma_start3A_208 = tpu.memref_squeeze %dma_start3A_207 : memref<1x1x128xi32, #tpu.memory_space<vmem>> -> memref<128xi32, #tpu.memory_space<vmem>>
          %dma_start3A_209 = arith.constant 0 : i32
          %dma_start3A_210 = arith.constant 0 : i32
          %dma_start3A_211 = tpu.memref_slice %arg13[%dma_start3A_209, %dma_start3A_210] : memref<10240x128xf32, #tpu.memory_space<vmem_shared>> -> memref<10240x128xf32, #tpu.memory_space<vmem_shared>>
          tpu.enqueue_indirect_dma source(%arg12 : memref<128x128xf32, #tpu.memory_space<vmem>>) target(%dma_start3A_211 : memref<10240x128xf32, #tpu.memory_space<vmem_shared>>) offsets(%dma_start3A_208 : memref<128xi32, #tpu.memory_space<vmem>>) semaphore(%arg16 : memref<!tpu.dma_semaphore, #tpu.memory_space<semaphore_mem>>) {add = true}
          %dma_wait3A_212 = arith.constant 0 : i32
          %dma_wait3A_213 = arith.constant 0 : i32
          %dma_wait3A_214 = arith.constant 0 : i32
          %dma_wait3A_215 = tpu.memref_slice %arg10[%dma_wait3A_212, %dma_wait3A_213, %dma_wait3A_214] : memref<10x1x128xi32, #tpu.memory_space<vmem>> -> memref<1x1x128xi32, #tpu.memory_space<vmem>>
          %dma_wait3A_216 = tpu.memref_squeeze %dma_wait3A_215 : memref<1x1x128xi32, #tpu.memory_space<vmem>> -> memref<128xi32, #tpu.memory_space<vmem>>
          %dma_wait3A_217 = arith.constant 0 : i32
          %dma_wait3A_218 = arith.constant 0 : i32
          %dma_wait3A_219 = tpu.memref_slice %arg13[%dma_wait3A_217, %dma_wait3A_218] : memref<10240x128xf32, #tpu.memory_space<vmem_shared>> -> memref<10240x128xf32, #tpu.memory_space<vmem_shared>>
          tpu.wait_indirect_dma semaphore(%arg16 : memref<!tpu.dma_semaphore, #tpu.memory_space<semaphore_mem>>) src(%arg11 : memref<128x128xf32, #tpu.memory_space<vmem>>) dst(%dma_wait3A_219 : memref<10240x128xf32, #tpu.memory_space<vmem_shared>>)
          %mul3A_220 = arith.constant 2 : i32
          %mul3A_221 = arith.muli %mul3A_220, %scan3A_174 : i32
          %add3A_222 = arith.constant 2 : i32
          %add3A_223 = arith.addi %mul3A_221, %add3A_222 : i32
          %dma_start3A_224 = arith.constant 0 : i32
          %dma_start3A_225 = arith.constant 0 : i32
          %dma_start3A_226 = tpu.memref_slice %arg9[%add3A_223, %dma_start3A_224, %dma_start3A_225] : memref<10x1x128xi32, #tpu.memory_space<vmem>> -> memref<1x1x128xi32, #tpu.memory_space<vmem>>
          %dma_start3A_227 = tpu.memref_squeeze %dma_start3A_226 : memref<1x1x128xi32, #tpu.memory_space<vmem>> -> memref<128xi32, #tpu.memory_space<vmem>>
          %dma_start3A_228 = arith.constant 0 : i32
          %dma_start3A_229 = arith.constant 0 : i32
          %dma_start3A_230 = tpu.memref_slice %arg4[%dma_start3A_228, %dma_start3A_229] : memref<10000x128xf32, #tpu.memory_space<hbm>> -> memref<10000x128xf32, #tpu.memory_space<hbm>>
          tpu.enqueue_indirect_dma source(%dma_start3A_230 : memref<10000x128xf32, #tpu.memory_space<hbm>>) target(%arg11 : memref<128x128xf32, #tpu.memory_space<vmem>>) offsets(%dma_start3A_227 : memref<128xi32, #tpu.memory_space<vmem>>) semaphore(%arg14 : memref<!tpu.dma_semaphore, #tpu.memory_space<semaphore_mem>>)
          %dma_wait3A_231 = arith.constant 0 : i32
          %dma_wait3A_232 = arith.constant 0 : i32
          %dma_wait3A_233 = arith.constant 0 : i32
          %dma_wait3A_234 = tpu.memref_slice %arg10[%dma_wait3A_231, %dma_wait3A_232, %dma_wait3A_233] : memref<10x1x128xi32, #tpu.memory_space<vmem>> -> memref<1x1x128xi32, #tpu.memory_space<vmem>>
          %dma_wait3A_235 = tpu.memref_squeeze %dma_wait3A_234 : memref<1x1x128xi32, #tpu.memory_space<vmem>> -> memref<128xi32, #tpu.memory_space<vmem>>
          %dma_wait3A_236 = arith.constant 0 : i32
          %dma_wait3A_237 = arith.constant 0 : i32
          %dma_wait3A_238 = tpu.memref_slice %arg13[%dma_wait3A_236, %dma_wait3A_237] : memref<10240x128xf32, #tpu.memory_space<vmem_shared>> -> memref<10240x128xf32, #tpu.memory_space<vmem_shared>>
          tpu.wait_indirect_dma semaphore(%arg16 : memref<!tpu.dma_semaphore, #tpu.memory_space<semaphore_mem>>) src(%arg12 : memref<128x128xf32, #tpu.memory_space<vmem>>) dst(%dma_wait3A_238 : memref<10240x128xf32, #tpu.memory_space<vmem_shared>>)
          %mul3A_239 = arith.constant 2 : i32
          %mul3A_240 = arith.muli %mul3A_239, %scan3A_174 : i32
          %add3A_241 = arith.constant 3 : i32
          %add3A_242 = arith.addi %mul3A_240, %add3A_241 : i32
          %dma_start3A_243 = arith.constant 0 : i32
          %dma_start3A_244 = arith.constant 0 : i32
          %dma_start3A_245 = tpu.memref_slice %arg9[%add3A_242, %dma_start3A_243, %dma_start3A_244] : memref<10x1x128xi32, #tpu.memory_space<vmem>> -> memref<1x1x128xi32, #tpu.memory_space<vmem>>
          %dma_start3A_246 = tpu.memref_squeeze %dma_start3A_245 : memref<1x1x128xi32, #tpu.memory_space<vmem>> -> memref<128xi32, #tpu.memory_space<vmem>>
          %dma_start3A_247 = arith.constant 0 : i32
          %dma_start3A_248 = arith.constant 0 : i32
          %dma_start3A_249 = tpu.memref_slice %arg4[%dma_start3A_247, %dma_start3A_248] : memref<10000x128xf32, #tpu.memory_space<hbm>> -> memref<10000x128xf32, #tpu.memory_space<hbm>>
          tpu.enqueue_indirect_dma source(%dma_start3A_249 : memref<10000x128xf32, #tpu.memory_space<hbm>>) target(%arg12 : memref<128x128xf32, #tpu.memory_space<vmem>>) offsets(%dma_start3A_246 : memref<128xi32, #tpu.memory_space<vmem>>) semaphore(%arg14 : memref<!tpu.dma_semaphore, #tpu.memory_space<semaphore_mem>>)
          %scan3A_250 = arith.constant 0 : i32
          scf.yield %scan3A_250 : i32
        }
        %scan3A_125 = arith.constant 4 : i32
        %dma_wait3A_126 = arith.constant 0 : i32
        %dma_wait3A_127 = arith.constant 0 : i32
        %dma_wait3A_128 = arith.constant 0 : i32
        %dma_wait3A_129 = tpu.memref_slice %arg9[%dma_wait3A_126, %dma_wait3A_127, %dma_wait3A_128] : memref<10x1x128xi32, #tpu.memory_space<vmem>> -> memref<1x1x128xi32, #tpu.memory_space<vmem>>
        %dma_wait3A_130 = tpu.memref_squeeze %dma_wait3A_129 : memref<1x1x128xi32, #tpu.memory_space<vmem>> -> memref<128xi32, #tpu.memory_space<vmem>>
        %dma_wait3A_131 = arith.constant 0 : i32
        %dma_wait3A_132 = arith.constant 0 : i32
        %dma_wait3A_133 = tpu.memref_slice %arg4[%dma_wait3A_131, %dma_wait3A_132] : memref<10000x128xf32, #tpu.memory_space<hbm>> -> memref<10000x128xf32, #tpu.memory_space<hbm>>
        tpu.wait_indirect_dma semaphore(%arg14 : memref<!tpu.dma_semaphore, #tpu.memory_space<semaphore_mem>>) src(%dma_wait3A_133 : memref<10000x128xf32, #tpu.memory_space<hbm>>) dst(%arg11 : memref<128x128xf32, #tpu.memory_space<vmem>>)
        %dma_start3A_134 = arith.constant 8 : i32
        %dma_start3A_135 = arith.constant 0 : i32
        %dma_start3A_136 = arith.constant 0 : i32
        %dma_start3A_137 = tpu.memref_slice %arg10[%dma_start3A_134, %dma_start3A_135, %dma_start3A_136] : memref<10x1x128xi32, #tpu.memory_space<vmem>> -> memref<1x1x128xi32, #tpu.memory_space<vmem>>
        %dma_start3A_138 = tpu.memref_squeeze %dma_start3A_137 : memref<1x1x128xi32, #tpu.memory_space<vmem>> -> memref<128xi32, #tpu.memory_space<vmem>>
        %dma_start3A_139 = arith.constant 0 : i32
        %dma_start3A_140 = arith.constant 0 : i32
        %dma_start3A_141 = tpu.memref_slice %arg13[%dma_start3A_139, %dma_start3A_140] : memref<10240x128xf32, #tpu.memory_space<vmem_shared>> -> memref<10240x128xf32, #tpu.memory_space<vmem_shared>>
        tpu.enqueue_indirect_dma source(%arg11 : memref<128x128xf32, #tpu.memory_space<vmem>>) target(%dma_start3A_141 : memref<10240x128xf32, #tpu.memory_space<vmem_shared>>) offsets(%dma_start3A_138 : memref<128xi32, #tpu.memory_space<vmem>>) semaphore(%arg16 : memref<!tpu.dma_semaphore, #tpu.memory_space<semaphore_mem>>) {add = true}
        %dma_wait3A_142 = arith.constant 0 : i32
        %dma_wait3A_143 = arith.constant 0 : i32
        %dma_wait3A_144 = arith.constant 0 : i32
        %dma_wait3A_145 = tpu.memref_slice %arg9[%dma_wait3A_142, %dma_wait3A_143, %dma_wait3A_144] : memref<10x1x128xi32, #tpu.memory_space<vmem>> -> memref<1x1x128xi32, #tpu.memory_space<vmem>>
        %dma_wait3A_146 = tpu.memref_squeeze %dma_wait3A_145 : memref<1x1x128xi32, #tpu.memory_space<vmem>> -> memref<128xi32, #tpu.memory_space<vmem>>
        %dma_wait3A_147 = arith.constant 0 : i32
        %dma_wait3A_148 = arith.constant 0 : i32
        %dma_wait3A_149 = tpu.memref_slice %arg4[%dma_wait3A_147, %dma_wait3A_148] : memref<10000x128xf32, #tpu.memory_space<hbm>> -> memref<10000x128xf32, #tpu.memory_space<hbm>>
        tpu.wait_indirect_dma semaphore(%arg14 : memref<!tpu.dma_semaphore, #tpu.memory_space<semaphore_mem>>) src(%dma_wait3A_149 : memref<10000x128xf32, #tpu.memory_space<hbm>>) dst(%arg12 : memref<128x128xf32, #tpu.memory_space<vmem>>)
        %dma_start3A_150 = arith.constant 9 : i32
        %dma_start3A_151 = arith.constant 0 : i32
        %dma_start3A_152 = arith.constant 0 : i32
        %dma_start3A_153 = tpu.memref_slice %arg10[%dma_start3A_150, %dma_start3A_151, %dma_start3A_152] : memref<10x1x128xi32, #tpu.memory_space<vmem>> -> memref<1x1x128xi32, #tpu.memory_space<vmem>>
        %dma_start3A_154 = tpu.memref_squeeze %dma_start3A_153 : memref<1x1x128xi32, #tpu.memory_space<vmem>> -> memref<128xi32, #tpu.memory_space<vmem>>
        %dma_start3A_155 = arith.constant 0 : i32
        %dma_start3A_156 = arith.constant 0 : i32
        %dma_start3A_157 = tpu.memref_slice %arg13[%dma_start3A_155, %dma_start3A_156] : memref<10240x128xf32, #tpu.memory_space<vmem_shared>> -> memref<10240x128xf32, #tpu.memory_space<vmem_shared>>
        tpu.enqueue_indirect_dma source(%arg12 : memref<128x128xf32, #tpu.memory_space<vmem>>) target(%dma_start3A_157 : memref<10240x128xf32, #tpu.memory_space<vmem_shared>>) offsets(%dma_start3A_154 : memref<128xi32, #tpu.memory_space<vmem>>) semaphore(%arg16 : memref<!tpu.dma_semaphore, #tpu.memory_space<semaphore_mem>>) {add = true}
        %dma_wait3A_158 = arith.constant 0 : i32
        %dma_wait3A_159 = arith.constant 0 : i32
        %dma_wait3A_160 = arith.constant 0 : i32
        %dma_wait3A_161 = tpu.memref_slice %arg10[%dma_wait3A_158, %dma_wait3A_159, %dma_wait3A_160] : memref<10x1x128xi32, #tpu.memory_space<vmem>> -> memref<1x1x128xi32, #tpu.memory_space<vmem>>
        %dma_wait3A_162 = tpu.memref_squeeze %dma_wait3A_161 : memref<1x1x128xi32, #tpu.memory_space<vmem>> -> memref<128xi32, #tpu.memory_space<vmem>>
        %dma_wait3A_163 = arith.constant 0 : i32
        %dma_wait3A_164 = arith.constant 0 : i32
        %dma_wait3A_165 = tpu.memref_slice %arg13[%dma_wait3A_163, %dma_wait3A_164] : memref<10240x128xf32, #tpu.memory_space<vmem_shared>> -> memref<10240x128xf32, #tpu.memory_space<vmem_shared>>
        tpu.wait_indirect_dma semaphore(%arg16 : memref<!tpu.dma_semaphore, #tpu.memory_space<semaphore_mem>>) src(%arg11 : memref<128x128xf32, #tpu.memory_space<vmem>>) dst(%dma_wait3A_165 : memref<10240x128xf32, #tpu.memory_space<vmem_shared>>)
        %dma_wait3A_166 = arith.constant 0 : i32
        %dma_wait3A_167 = arith.constant 0 : i32
        %dma_wait3A_168 = arith.constant 0 : i32
        %dma_wait3A_169 = tpu.memref_slice %arg10[%dma_wait3A_166, %dma_wait3A_167, %dma_wait3A_168] : memref<10x1x128xi32, #tpu.memory_space<vmem>> -> memref<1x1x128xi32, #tpu.memory_space<vmem>>
        %dma_wait3A_170 = tpu.memref_squeeze %dma_wait3A_169 : memref<1x1x128xi32, #tpu.memory_space<vmem>> -> memref<128xi32, #tpu.memory_space<vmem>>
        %dma_wait3A_171 = arith.constant 0 : i32
        %dma_wait3A_172 = arith.constant 0 : i32
        %dma_wait3A_173 = tpu.memref_slice %arg13[%dma_wait3A_171, %dma_wait3A_172] : memref<10240x128xf32, #tpu.memory_space<vmem_shared>> -> memref<10240x128xf32, #tpu.memory_space<vmem_shared>>
        tpu.wait_indirect_dma semaphore(%arg16 : memref<!tpu.dma_semaphore, #tpu.memory_space<semaphore_mem>>) src(%arg12 : memref<128x128xf32, #tpu.memory_space<vmem>>) dst(%dma_wait3A_173 : memref<10240x128xf32, #tpu.memory_space<vmem_shared>>)
      } else {
      }
      %lt3A_88 = arith.constant 7 : i32
      %lt3A_89 = arith.cmpi slt, %scan3A_56, %lt3A_88 : i32
      %and3A_90 = arith.andi %eq3A_68, %lt3A_89 : i1
      %convert_element_type3A_91 = arith.extui %and3A_90 : i1 to i32
      %cond3A_92 = arith.constant 0 : i32
      %cond3A_93 = arith.cmpi ne, %convert_element_type3A_91, %cond3A_92 : i32
      scf.if %cond3A_93 {
        %dma_wait3A_103 = arith.constant 0 : i32
        %dma_wait3A_104 = arith.constant 0 : i32
        %dma_wait3A_105 = arith.constant 0 : i32
        %dma_wait3A_106 = tpu.memref_slice %arg2[%add3A, %dma_wait3A_103, %dma_wait3A_104, %dma_wait3A_105] : memref<32x80x1x128xi32, #tpu.memory_space<hbm>> -> memref<1x10x1x128xi32, #tpu.memory_space<hbm>>
        %dma_wait3A_107 = tpu.memref_squeeze %dma_wait3A_106 : memref<1x10x1x128xi32, #tpu.memory_space<hbm>> -> memref<10x1x128xi32, #tpu.memory_space<hbm>>
        %dma_wait3A_108 = arith.constant 0 : i32
        %dma_wait3A_109 = arith.constant 0 : i32
        %dma_wait3A_110 = arith.constant 0 : i32
        %dma_wait3A_111 = tpu.memref_slice %arg2[%add3A, %dma_wait3A_108, %dma_wait3A_109, %dma_wait3A_110] : memref<32x80x1x128xi32, #tpu.memory_space<hbm>> -> memref<1x10x1x128xi32, #tpu.memory_space<hbm>>
        %dma_wait3A_112 = tpu.memref_squeeze %dma_wait3A_111 : memref<1x10x1x128xi32, #tpu.memory_space<hbm>> -> memref<10x1x128xi32, #tpu.memory_space<hbm>>
        tpu.wait_dma2 semaphore(%arg15 : memref<!tpu.dma_semaphore, #tpu.memory_space<semaphore_mem>>) src(%dma_wait3A_112 : memref<10x1x128xi32, #tpu.memory_space<hbm>>) dst(%arg9 : memref<10x1x128xi32, #tpu.memory_space<vmem>>)
        %dma_wait3A_113 = arith.constant 0 : i32
        %dma_wait3A_114 = arith.constant 0 : i32
        %dma_wait3A_115 = arith.constant 0 : i32
        %dma_wait3A_116 = tpu.memref_slice %arg3[%add3A, %dma_wait3A_113, %dma_wait3A_114, %dma_wait3A_115] : memref<32x80x1x128xi32, #tpu.memory_space<hbm>> -> memref<1x10x1x128xi32, #tpu.memory_space<hbm>>
        %dma_wait3A_117 = tpu.memref_squeeze %dma_wait3A_116 : memref<1x10x1x128xi32, #tpu.memory_space<hbm>> -> memref<10x1x128xi32, #tpu.memory_space<hbm>>
        %dma_wait3A_118 = arith.constant 0 : i32
        %dma_wait3A_119 = arith.constant 0 : i32
        %dma_wait3A_120 = arith.constant 0 : i32
        %dma_wait3A_121 = tpu.memref_slice %arg3[%add3A, %dma_wait3A_118, %dma_wait3A_119, %dma_wait3A_120] : memref<32x80x1x128xi32, #tpu.memory_space<hbm>> -> memref<1x10x1x128xi32, #tpu.memory_space<hbm>>
        %dma_wait3A_122 = tpu.memref_squeeze %dma_wait3A_121 : memref<1x10x1x128xi32, #tpu.memory_space<hbm>> -> memref<10x1x128xi32, #tpu.memory_space<hbm>>
        tpu.wait_dma2 semaphore(%arg15 : memref<!tpu.dma_semaphore, #tpu.memory_space<semaphore_mem>>) src(%dma_wait3A_122 : memref<10x1x128xi32, #tpu.memory_space<hbm>>) dst(%arg10 : memref<10x1x128xi32, #tpu.memory_space<vmem>>)
      } else {
      }
      %not3A_94 = arith.constant true
      %not3A_95 = arith.xori %eq3A_68, %not3A_94 : i1
      %lt3A_96 = arith.constant 7 : i32
      %lt3A_97 = arith.cmpi slt, %scan3A_56, %lt3A_96 : i32
      %and3A_98 = arith.andi %not3A_95, %lt3A_97 : i1
      %convert_element_type3A_99 = arith.extui %and3A_98 : i1 to i32
      %cond3A_100 = arith.constant 0 : i32
      %cond3A_101 = arith.cmpi ne, %convert_element_type3A_99, %cond3A_100 : i32
      scf.if %cond3A_101 {
        %dma_wait3A_103 = arith.constant 0 : i32
        %dma_wait3A_104 = arith.constant 0 : i32
        %dma_wait3A_105 = arith.constant 0 : i32
        %dma_wait3A_106 = tpu.memref_slice %arg2[%add3A, %dma_wait3A_103, %dma_wait3A_104, %dma_wait3A_105] : memref<32x80x1x128xi32, #tpu.memory_space<hbm>> -> memref<1x10x1x128xi32, #tpu.memory_space<hbm>>
        %dma_wait3A_107 = tpu.memref_squeeze %dma_wait3A_106 : memref<1x10x1x128xi32, #tpu.memory_space<hbm>> -> memref<10x1x128xi32, #tpu.memory_space<hbm>>
        %dma_wait3A_108 = arith.constant 0 : i32
        %dma_wait3A_109 = arith.constant 0 : i32
        %dma_wait3A_110 = arith.constant 0 : i32
        %dma_wait3A_111 = tpu.memref_slice %arg2[%add3A, %dma_wait3A_108, %dma_wait3A_109, %dma_wait3A_110] : memref<32x80x1x128xi32, #tpu.memory_space<hbm>> -> memref<1x10x1x128xi32, #tpu.memory_space<hbm>>
        %dma_wait3A_112 = tpu.memref_squeeze %dma_wait3A_111 : memref<1x10x1x128xi32, #tpu.memory_space<hbm>> -> memref<10x1x128xi32, #tpu.memory_space<hbm>>
        tpu.wait_dma2 semaphore(%arg15 : memref<!tpu.dma_semaphore, #tpu.memory_space<semaphore_mem>>) src(%dma_wait3A_112 : memref<10x1x128xi32, #tpu.memory_space<hbm>>) dst(%arg7 : memref<10x1x128xi32, #tpu.memory_space<vmem>>)
        %dma_wait3A_113 = arith.constant 0 : i32
        %dma_wait3A_114 = arith.constant 0 : i32
        %dma_wait3A_115 = arith.constant 0 : i32
        %dma_wait3A_116 = tpu.memref_slice %arg3[%add3A, %dma_wait3A_113, %dma_wait3A_114, %dma_wait3A_115] : memref<32x80x1x128xi32, #tpu.memory_space<hbm>> -> memref<1x10x1x128xi32, #tpu.memory_space<hbm>>
        %dma_wait3A_117 = tpu.memref_squeeze %dma_wait3A_116 : memref<1x10x1x128xi32, #tpu.memory_space<hbm>> -> memref<10x1x128xi32, #tpu.memory_space<hbm>>
        %dma_wait3A_118 = arith.constant 0 : i32
        %dma_wait3A_119 = arith.constant 0 : i32
        %dma_wait3A_120 = arith.constant 0 : i32
        %dma_wait3A_121 = tpu.memref_slice %arg3[%add3A, %dma_wait3A_118, %dma_wait3A_119, %dma_wait3A_120] : memref<32x80x1x128xi32, #tpu.memory_space<hbm>> -> memref<1x10x1x128xi32, #tpu.memory_space<hbm>>
        %dma_wait3A_122 = tpu.memref_squeeze %dma_wait3A_121 : memref<1x10x1x128xi32, #tpu.memory_space<hbm>> -> memref<10x1x128xi32, #tpu.memory_space<hbm>>
        tpu.wait_dma2 semaphore(%arg15 : memref<!tpu.dma_semaphore, #tpu.memory_space<semaphore_mem>>) src(%dma_wait3A_122 : memref<10x1x128xi32, #tpu.memory_space<hbm>>) dst(%arg8 : memref<10x1x128xi32, #tpu.memory_space<vmem>>)
      } else {
      }
      %scan3A_102 = arith.constant 0 : i32
      scf.yield %scan3A_102 : i32
    }
    %scan3A_50 = arith.constant 8 : i32
    %barrier3A_51 = arith.constant 0 : index
    tpu.barrier barrier_id(%barrier3A_51)
    %mul3A_52 = arith.constant 640 : i32
    %mul3A_53 = arith.muli %arg1, %mul3A_52 : i32
    %mul3A_54 = arith.constant 640 : i32
    %mul3A_55 = arith.muli %arg1, %mul3A_54 : i32
    "tpu.region"() ({
      %run_scoped3A = tpu.sem_alloc : memref<!tpu.dma_semaphore, #tpu.memory_space<semaphore_mem>>
      %dma_start3A_56 = arith.constant 0 : i32
      %dma_start3A_57 = tpu.memref_slice %arg6[%arg0, %mul3A_55, %dma_start3A_56] : memref<2x10240x128xf32, #tpu.memory_space<hbm>> -> memref<1x640x128xf32, #tpu.memory_space<hbm>>
      %dma_start3A_58 = tpu.memref_squeeze %dma_start3A_57 : memref<1x640x128xf32, #tpu.memory_space<hbm>> -> memref<640x128xf32, #tpu.memory_space<hbm>>
      %dma_start3A_59 = arith.constant 0 : i32
      %dma_start3A_60 = tpu.memref_slice %arg13[%mul3A_53, %dma_start3A_59] : memref<10240x128xf32, #tpu.memory_space<vmem_shared>> -> memref<640x128xf32, #tpu.memory_space<vmem_shared>>
      tpu.enqueue_dma source(%dma_start3A_60 : memref<640x128xf32, #tpu.memory_space<vmem_shared>>) target(%dma_start3A_58 : memref<640x128xf32, #tpu.memory_space<hbm>>) target_semaphore(%run_scoped3A : memref<!tpu.dma_semaphore, #tpu.memory_space<semaphore_mem>>)
      %dma_wait3A_61 = arith.constant 0 : i32
      %dma_wait3A_62 = tpu.memref_slice %arg6[%arg0, %mul3A_55, %dma_wait3A_61] : memref<2x10240x128xf32, #tpu.memory_space<hbm>> -> memref<1x640x128xf32, #tpu.memory_space<hbm>>
      %dma_wait3A_63 = tpu.memref_squeeze %dma_wait3A_62 : memref<1x640x128xf32, #tpu.memory_space<hbm>> -> memref<640x128xf32, #tpu.memory_space<hbm>>
      %dma_wait3A_64 = arith.constant 0 : i32
      %dma_wait3A_65 = tpu.memref_slice %arg13[%mul3A_53, %dma_wait3A_64] : memref<10240x128xf32, #tpu.memory_space<vmem_shared>> -> memref<640x128xf32, #tpu.memory_space<vmem_shared>>
      tpu.wait_dma2 semaphore(%run_scoped3A : memref<!tpu.dma_semaphore, #tpu.memory_space<semaphore_mem>>) src(%dma_wait3A_65 : memref<640x128xf32, #tpu.memory_space<vmem_shared>>) dst(%dma_wait3A_63 : memref<640x128xf32, #tpu.memory_space<hbm>>)
      tpu.yield
    }) : () -> ()
    return
  }
}

module attributes {stable_mosaic.version = 14 : i64} {
  func.func @_mm_body(%arg0: i32, %arg1: memref<1000x128xf32, #tpu.memory_space<vmem>>, %arg2: memref<128x128xf32, #tpu.memory_space<vmem>>, %arg3: memref<128x128xf32, #tpu.memory_space<vmem>>, %arg4: memref<1000x128xf32, #tpu.memory_space<vmem>>, %arg5: memref<1000x128xf32, #tpu.memory_space<vmem>>) attributes {dimension_semantics = [#tpu.dimension_semantics<arbitrary>], iteration_bounds = array<i64: 10>, scalar_prefetch = 0 : i64, scratch_operands = 0 : i64, tpu.core_type = #tpu.core_type<tc>, window_params = [{transform_indices = @transform_0, window_bounds = array<i64: 1000, 128>}, {pipeline_mode = #tpu.pipeline_mode<synchronous>, transform_indices = @transform_1, window_bounds = array<i64: 128, 128>}, {pipeline_mode = #tpu.pipeline_mode<synchronous>, transform_indices = @transform_2, window_bounds = array<i64: 128, 128>}, {transform_indices = @transform_3, window_bounds = array<i64: 1000, 128>}, {transform_indices = @transform_4, window_bounds = array<i64: 1000, 128>}]} {
    %get3A = arith.constant 0 : index
    %get3A_0 = arith.constant 0 : index
    %get3A_1 = vector.load %arg1[%get3A, %get3A_0] : memref<1000x128xf32, #tpu.memory_space<vmem>>, vector<1000x128xf32>
    %get3A_2 = arith.constant 0 : index
    %get3A_3 = arith.constant 0 : index
    %get3A_4 = vector.load %arg2[%get3A_2, %get3A_3] : memref<128x128xf32, #tpu.memory_space<vmem>>, vector<128x128xf32>
    %dot_general3A = arith.constant dense<0.000000e+00> : vector<1000x128xf32>
    %dot_general3A_5 = tpu.matmul %get3A_1, %get3A_4, %dot_general3A {dimension_numbers = #tpu.dot_dimension_numbers<[1], [0], [0], [1], [0, 0, 1, 1], [], []>, transpose_lhs_hint = false} : vector<1000x128xf32>, vector<128x128xf32>, vector<1000x128xf32> -> vector<1000x128xf32>
    %swap3A = arith.constant 0 : index
    %swap3A_6 = arith.constant 0 : index
    %swap3A_7 = vector.load %arg4[%swap3A, %swap3A_6] : memref<1000x128xf32, #tpu.memory_space<vmem>>, vector<1000x128xf32>
    tpu.vector_store %arg4[%swap3A, %swap3A_6], %dot_general3A_5 {strides = array<i32>} : memref<1000x128xf32, #tpu.memory_space<vmem>>, vector<1000x128xf32>,
    %get3A_8 = arith.constant 0 : index
    %get3A_9 = arith.constant 0 : index
    %get3A_10 = vector.load %arg1[%get3A_8, %get3A_9] : memref<1000x128xf32, #tpu.memory_space<vmem>>, vector<1000x128xf32>
    %get3A_11 = arith.constant 0 : index
    %get3A_12 = arith.constant 0 : index
    %get3A_13 = vector.load %arg3[%get3A_11, %get3A_12] : memref<128x128xf32, #tpu.memory_space<vmem>>, vector<128x128xf32>
    %dot_general3A_14 = arith.constant dense<0.000000e+00> : vector<1000x128xf32>
    %dot_general3A_15 = tpu.matmul %get3A_10, %get3A_13, %dot_general3A_14 {dimension_numbers = #tpu.dot_dimension_numbers<[1], [0], [0], [1], [0, 0, 1, 1], [], []>, transpose_lhs_hint = false} : vector<1000x128xf32>, vector<128x128xf32>, vector<1000x128xf32> -> vector<1000x128xf32>
    %swap3A_16 = arith.constant 0 : index
    %swap3A_17 = arith.constant 0 : index
    %swap3A_18 = vector.load %arg5[%swap3A_16, %swap3A_17] : memref<1000x128xf32, #tpu.memory_space<vmem>>, vector<1000x128xf32>
    tpu.vector_store %arg5[%swap3A_16, %swap3A_17], %dot_general3A_15 {strides = array<i32>} : memref<1000x128xf32, #tpu.memory_space<vmem>>, vector<1000x128xf32>,
    return
  }
  func.func @transform_0(%arg0: i32) -> (i32, i32) {
    %c0_i32 = arith.constant 0 : i32
    %c0_i32_0 = arith.constant 0 : i32
    return %arg0, %c0_i32 : i32, i32
  }
  func.func @transform_1(%arg0: i32) -> (i32, i32) {
    %c0_i32 = arith.constant 0 : i32
    %c0_i32_0 = arith.constant 0 : i32
    %c0_i32_1 = arith.constant 0 : i32
    return %c0_i32, %c0_i32_0 : i32, i32
  }
  func.func @transform_2(%arg0: i32) -> (i32, i32) {
    %c0_i32 = arith.constant 0 : i32
    %c0_i32_0 = arith.constant 0 : i32
    %c0_i32_1 = arith.constant 0 : i32
    return %c0_i32, %c0_i32_0 : i32, i32
  }
  func.func @transform_3(%arg0: i32) -> (i32, i32) {
    %c0_i32 = arith.constant 0 : i32
    %c0_i32_0 = arith.constant 0 : i32
    return %arg0, %c0_i32 : i32, i32
  }
  func.func @transform_4(%arg0: i32) -> (i32, i32) {
    %c0_i32 = arith.constant 0 : i32
    %c0_i32_0 = arith.constant 0 : i32
    return %arg0, %c0_i32 : i32, i32
  }
}

module attributes {stable_mosaic.version = 14 : i64} {
  func.func @_scale_body(%arg0: i32, %arg1: memref<1000x128xf32, #tpu.memory_space<vmem>>, %arg2: memref<1000x2xf32, #tpu.memory_space<vmem>>, %arg3: memref<1000x128xf32, #tpu.memory_space<vmem>>) attributes {dimension_semantics = [#tpu.dimension_semantics<arbitrary>], iteration_bounds = array<i64: 10>, scalar_prefetch = 0 : i64, scratch_operands = 0 : i64, tpu.core_type = #tpu.core_type<tc>, window_params = [{transform_indices = @transform_0, window_bounds = array<i64: 1000, 128>}, {transform_indices = @transform_1, window_bounds = array<i64: 1000, 2>}, {transform_indices = @transform_2, window_bounds = array<i64: 1000, 128>}]} {
    %get3A = arith.constant 0 : index
    %get3A_0 = arith.constant 0 : index
    %get3A_1 = vector.load %arg2[%get3A, %get3A_0] : memref<1000x2xf32, #tpu.memory_space<vmem>>, vector<1000x1xf32>
    %get3A_2 = vector.shape_cast %get3A_1 : vector<1000x1xf32> to vector<1000xf32>
    %get3A_3 = arith.constant 0 : index
    %get3A_4 = arith.constant 1 : index
    %get3A_5 = vector.load %arg2[%get3A_3, %get3A_4] : memref<1000x2xf32, #tpu.memory_space<vmem>>, vector<1000x1xf32>
    %get3A_6 = vector.shape_cast %get3A_5 : vector<1000x1xf32> to vector<1000xf32>
    %add3A = arith.addf %get3A_2, %get3A_6 : vector<1000xf32>
    %add3A_7 = arith.constant 1.000000e+00 : f32
    %add3A_8 = vector.broadcast %add3A_7 : f32 to vector<1000xf32>
    %add3A_9 = arith.addf %add3A, %add3A_8 : vector<1000xf32>
    %get3A_10 = arith.constant 0 : index
    %get3A_11 = arith.constant 0 : index
    %get3A_12 = vector.load %arg1[%get3A_10, %get3A_11] : memref<1000x128xf32, #tpu.memory_space<vmem>>, vector<1000x128xf32>
    %rsqrt3A = math.rsqrt %add3A_9 : vector<1000xf32>
    %broadcast_in_dim3A = vector.shape_cast %rsqrt3A : vector<1000xf32> to vector<1000x1xf32>
    %mul3A = vector.broadcast %broadcast_in_dim3A : vector<1000x1xf32> to vector<1000x128xf32>
    %mul3A_13 = arith.mulf %get3A_12, %mul3A : vector<1000x128xf32>
    %swap3A = arith.constant 0 : index
    %swap3A_14 = arith.constant 0 : index
    %swap3A_15 = vector.load %arg3[%swap3A, %swap3A_14] : memref<1000x128xf32, #tpu.memory_space<vmem>>, vector<1000x128xf32>
    tpu.vector_store %arg3[%swap3A, %swap3A_14], %mul3A_13 {strides = array<i32>} : memref<1000x128xf32, #tpu.memory_space<vmem>>, vector<1000x128xf32>,
    return
  }
  func.func @transform_0(%arg0: i32) -> (i32, i32) {
    %c0_i32 = arith.constant 0 : i32
    %c0_i32_0 = arith.constant 0 : i32
    return %arg0, %c0_i32 : i32, i32
  }
  func.func @transform_1(%arg0: i32) -> (i32, i32) {
    %c0_i32 = arith.constant 0 : i32
    %c0_i32_0 = arith.constant 0 : i32
    return %arg0, %c0_i32 : i32, i32
  }
  func.func @transform_2(%arg0: i32) -> (i32, i32) {
    %c0_i32 = arith.constant 0 : i32
    %c0_i32_0 = arith.constant 0 : i32
    return %arg0, %c0_i32 : i32, i32
  }
}

module attributes {stable_mosaic.version = 14 : i64} {
  func.func @_final_body(%arg0: i32, %arg1: memref<2x1000x128xf32, #tpu.memory_space<vmem>>, %arg2: memref<1000x128xf32, #tpu.memory_space<vmem>>, %arg3: memref<1000x128xf32, #tpu.memory_space<vmem>>, %arg4: memref<1000x2xf32, #tpu.memory_space<vmem>>, %arg5: memref<1x128xf32, #tpu.memory_space<vmem>>, %arg6: memref<1x128xf32, #tpu.memory_space<vmem>>, %arg7: memref<1x128xf32, #tpu.memory_space<vmem>>, %arg8: memref<1000x128xf32, #tpu.memory_space<vmem>>) attributes {dimension_semantics = [#tpu.dimension_semantics<arbitrary>], iteration_bounds = array<i64: 10>, scalar_prefetch = 0 : i64, scratch_operands = 0 : i64, tpu.core_type = #tpu.core_type<tc>, window_params = [{transform_indices = @transform_0, window_bounds = array<i64: 2, 1000, 128>}, {transform_indices = @transform_1, window_bounds = array<i64: 1000, 128>}, {transform_indices = @transform_2, window_bounds = array<i64: 1000, 128>}, {transform_indices = @transform_3, window_bounds = array<i64: 1000, 2>}, {pipeline_mode = #tpu.pipeline_mode<synchronous>, transform_indices = @transform_4, window_bounds = array<i64: 1, 128>}, {pipeline_mode = #tpu.pipeline_mode<synchronous>, transform_indices = @transform_5, window_bounds = array<i64: 1, 128>}, {pipeline_mode = #tpu.pipeline_mode<synchronous>, transform_indices = @transform_6, window_bounds = array<i64: 1, 128>}, {transform_indices = @transform_7, window_bounds = array<i64: 1000, 128>}]} {
    %get3A = arith.constant 0 : index
    %get3A_0 = arith.constant 0 : index
    %get3A_1 = vector.load %arg4[%get3A, %get3A_0] : memref<1000x2xf32, #tpu.memory_space<vmem>>, vector<1000x1xf32>
    %get3A_2 = vector.shape_cast %get3A_1 : vector<1000x1xf32> to vector<1000xf32>
    %get3A_3 = arith.constant 0 : index
    %get3A_4 = arith.constant 1 : index
    %get3A_5 = vector.load %arg4[%get3A_3, %get3A_4] : memref<1000x2xf32, #tpu.memory_space<vmem>>, vector<1000x1xf32>
    %get3A_6 = vector.shape_cast %get3A_5 : vector<1000x1xf32> to vector<1000xf32>
    %add3A = arith.addf %get3A_2, %get3A_6 : vector<1000xf32>
    %add3A_7 = arith.constant 1.000000e+00 : f32
    %add3A_8 = vector.broadcast %add3A_7 : f32 to vector<1000xf32>
    %add3A_9 = arith.addf %add3A, %add3A_8 : vector<1000xf32>
    %rsqrt3A = math.rsqrt %add3A_9 : vector<1000xf32>
    %get3A_10 = arith.constant 0 : index
    %get3A_11 = arith.constant 0 : index
    %get3A_12 = arith.constant 0 : index
    %get3A_13 = vector.load %arg1[%get3A_10, %get3A_11, %get3A_12] : memref<2x1000x128xf32, #tpu.memory_space<vmem>>, vector<1x1000x128xf32>
    %get3A_14 = vector.shape_cast %get3A_13 : vector<1x1000x128xf32> to vector<1000x128xf32>
    %get3A_15 = arith.constant 1 : index
    %get3A_16 = arith.constant 0 : index
    %get3A_17 = arith.constant 0 : index
    %get3A_18 = vector.load %arg1[%get3A_15, %get3A_16, %get3A_17] : memref<2x1000x128xf32, #tpu.memory_space<vmem>>, vector<1x1000x128xf32>
    %get3A_19 = vector.shape_cast %get3A_18 : vector<1x1000x128xf32> to vector<1000x128xf32>
    %add3A_20 = arith.addf %get3A_14, %get3A_19 : vector<1000x128xf32>
    %get3A_21 = arith.constant 0 : index
    %get3A_22 = arith.constant 0 : index
    %get3A_23 = vector.load %arg2[%get3A_21, %get3A_22] : memref<1000x128xf32, #tpu.memory_space<vmem>>, vector<1000x128xf32>
    %add3A_24 = arith.addf %add3A_20, %get3A_23 : vector<1000x128xf32>
    %broadcast_in_dim3A = vector.shape_cast %rsqrt3A : vector<1000xf32> to vector<1000x1xf32>
    %mul3A = vector.broadcast %broadcast_in_dim3A : vector<1000x1xf32> to vector<1000x128xf32>
    %mul3A_25 = arith.mulf %mul3A, %add3A_24 : vector<1000x128xf32>
    %get3A_26 = arith.constant 0 : index
    %get3A_27 = arith.constant 0 : index
    %get3A_28 = vector.load %arg5[%get3A_26, %get3A_27] : memref<1x128xf32, #tpu.memory_space<vmem>>, vector<1x128xf32>
    %add3A_29 = vector.broadcast %get3A_28 : vector<1x128xf32> to vector<1000x128xf32>
    %add3A_30 = arith.addf %mul3A_25, %add3A_29 : vector<1000x128xf32>
    %get3A_31 = arith.constant 0 : index
    %get3A_32 = arith.constant 0 : index
    %get3A_33 = vector.load %arg3[%get3A_31, %get3A_32] : memref<1000x128xf32, #tpu.memory_space<vmem>>, vector<1000x128xf32>
    %add3A_34 = arith.addf %add3A_30, %get3A_33 : vector<1000x128xf32>
    %add3A_35 = arith.constant 9.99999997E-7 : f32
    %add3A_36 = vector.broadcast %add3A_35 : f32 to vector<1000x128xf32>
    %add3A_37 = arith.addf %add3A_34, %add3A_36 : vector<1000x128xf32>
    %reduce_sum3A = arith.constant dense<0.000000e+00> : vector<1000xf32>
    %reduce_sum3A_38 = vector.multi_reduction <add>, %add3A_37, %reduce_sum3A [1] : vector<1000x128xf32> to vector<1000xf32>
    %broadcast_in_dim3A_39 = vector.shape_cast %reduce_sum3A_38 : vector<1000xf32> to vector<1000x1xf32>
    %div3A = arith.constant 1.280000e+02 : f32
    %div3A_40 = vector.broadcast %div3A : f32 to vector<1000x1xf32>
    %div3A_41 = arith.divf %broadcast_in_dim3A_39, %div3A_40 : vector<1000x1xf32>
    %sub3A = vector.broadcast %div3A_41 : vector<1000x1xf32> to vector<1000x128xf32>
    %sub3A_42 = arith.subf %add3A_37, %sub3A : vector<1000x128xf32>
    %mul3A_43 = arith.mulf %sub3A_42, %sub3A_42 : vector<1000x128xf32>
    %reduce_sum3A_44 = arith.constant dense<0.000000e+00> : vector<1000xf32>
    %reduce_sum3A_45 = vector.multi_reduction <add>, %mul3A_43, %reduce_sum3A_44 [1] : vector<1000x128xf32> to vector<1000xf32>
    %broadcast_in_dim3A_46 = vector.shape_cast %reduce_sum3A_45 : vector<1000xf32> to vector<1000x1xf32>
    %div3A_47 = arith.constant 1.280000e+02 : f32
    %div3A_48 = vector.broadcast %div3A_47 : f32 to vector<1000x1xf32>
    %div3A_49 = arith.divf %broadcast_in_dim3A_46, %div3A_48 : vector<1000x1xf32>
    %add3A_50 = arith.constant 9.99999974E-6 : f32
    %add3A_51 = vector.broadcast %add3A_50 : f32 to vector<1000x1xf32>
    %add3A_52 = arith.addf %div3A_49, %add3A_51 : vector<1000x1xf32>
    %rsqrt3A_53 = math.rsqrt %add3A_52 : vector<1000x1xf32>
    %mul3A_54 = vector.broadcast %rsqrt3A_53 : vector<1000x1xf32> to vector<1000x128xf32>
    %mul3A_55 = arith.mulf %sub3A_42, %mul3A_54 : vector<1000x128xf32>
    %get3A_56 = arith.constant 0 : index
    %get3A_57 = arith.constant 0 : index
    %get3A_58 = vector.load %arg6[%get3A_56, %get3A_57] : memref<1x128xf32, #tpu.memory_space<vmem>>, vector<1x128xf32>
    %mul3A_59 = vector.broadcast %get3A_58 : vector<1x128xf32> to vector<1000x128xf32>
    %mul3A_60 = arith.mulf %mul3A_55, %mul3A_59 : vector<1000x128xf32>
    %get3A_61 = arith.constant 0 : index
    %get3A_62 = arith.constant 0 : index
    %get3A_63 = vector.load %arg7[%get3A_61, %get3A_62] : memref<1x128xf32, #tpu.memory_space<vmem>>, vector<1x128xf32>
    %add3A_64 = vector.broadcast %get3A_63 : vector<1x128xf32> to vector<1000x128xf32>
    %add3A_65 = arith.addf %mul3A_60, %add3A_64 : vector<1000x128xf32>
    %swap3A = arith.constant 0 : index
    %swap3A_66 = arith.constant 0 : index
    %swap3A_67 = vector.load %arg8[%swap3A, %swap3A_66] : memref<1000x128xf32, #tpu.memory_space<vmem>>, vector<1000x128xf32>
    tpu.vector_store %arg8[%swap3A, %swap3A_66], %add3A_65 {strides = array<i32>} : memref<1000x128xf32, #tpu.memory_space<vmem>>, vector<1000x128xf32>,
    return
  }
  func.func @transform_0(%arg0: i32) -> (i32, i32, i32) {
    %c0_i32 = arith.constant 0 : i32
    %c0_i32_0 = arith.constant 0 : i32
    %c0_i32_1 = arith.constant 0 : i32
    return %c0_i32, %arg0, %c0_i32_0 : i32, i32, i32
  }
  func.func @transform_1(%arg0: i32) -> (i32, i32) {
    %c0_i32 = arith.constant 0 : i32
    %c0_i32_0 = arith.constant 0 : i32
    return %arg0, %c0_i32 : i32, i32
  }
  func.func @transform_2(%arg0: i32) -> (i32, i32) {
    %c0_i32 = arith.constant 0 : i32
    %c0_i32_0 = arith.constant 0 : i32
    return %arg0, %c0_i32 : i32, i32
  }
  func.func @transform_3(%arg0: i32) -> (i32, i32) {
    %c0_i32 = arith.constant 0 : i32
    %c0_i32_0 = arith.constant 0 : i32
    return %arg0, %c0_i32 : i32, i32
  }
  func.func @transform_4(%arg0: i32) -> (i32, i32) {
    %c0_i32 = arith.constant 0 : i32
    %c0_i32_0 = arith.constant 0 : i32
    %c0_i32_1 = arith.constant 0 : i32
    return %c0_i32, %c0_i32_0 : i32, i32
  }
  func.func @transform_5(%arg0: i32) -> (i32, i32) {
    %c0_i32 = arith.constant 0 : i32
    %c0_i32_0 = arith.constant 0 : i32
    %c0_i32_1 = arith.constant 0 : i32
    return %c0_i32, %c0_i32_0 : i32, i32
  }
  func.func @transform_6(%arg0: i32) -> (i32, i32) {
    %c0_i32 = arith.constant 0 : i32
    %c0_i32_0 = arith.constant 0 : i32
    %c0_i32_1 = arith.constant 0 : i32
    return %c0_i32, %c0_i32_0 : i32, i32
  }
  func.func @transform_7(%arg0: i32) -> (i32, i32) {
    %c0_i32 = arith.constant 0 : i32
    %c0_i32_0 = arith.constant 0 : i32
    return %arg0, %c0_i32 : i32, i32
  }
}

</mosaic_0001>

<sc_bundles>
// kernel: kernel.10.cloned.1.call-start
scs
__scs_entry_jumppad:
0x0: {  	(pc) =	sbr.rel $0x88, $3  }
0x1: {  	(tag) =	ssettag $0x0;
	lr =	simm.s32 $0x1  }
0x2: {  	[smem:$0x3F9A] =	sst lr;
	_ =	strace $0xD0000000  }
0x3: {  	_ = 	snop  }
0x4: {  	_ = 	snop  }
0x5: {  	_ = 	snop  }
0x6: {  	_ = 	snop  }
0x7: {  	_ = 	snop  }
__scs_overlays_trampoline_lowered:
0x8: {  	[smem:$0x3FA9] =	sst s0  }
0x9: {  	[smem:$0x3FAA] =	sst s1  }
0xa: {  	[smem:$0x3FAB] =	sst s2  }
0xb: {  	[smem:$0x3FAC] =	sst s3  }
0xc: {  	[smem:$0x3FAD] =	sst s4  }
0xd: {  	[smem:$0x3FAE] =	sst s5  }
0xe: {  	[smem:$0x3FAF] =	sst s6  }
0xf: {  	[smem:$0x3FB0] =	sst s7  }
0x10: {  	[smem:$0x3FB1] =	sst s8  }
0x11: {  	[smem:$0x3FB2] =	sst s9;
	s0 =	simm.s32 @!p0 $0x0  }
0x12: {  	s1 =	sld [smem:$0x3F98];
	s0 =	simm.s32 @p0 $0x1  }
0x13: {  	[smem:$0x3FB3] =	sst s0;
	s0 =	simm.s32 @!p1 $0x0  }
0x14: {  	s2 =	sld [smem:$0x3F97];
	s0 =	simm.s32 @p1 $0x1  }
0x15: {  	[smem:$0x3FB4] =	sst s0;
	s0 =	simm.s32 @!p2 $0x0  }
0x16: {  	s3 =	sld [smem:$0x3FDB];
	s0 =	simm.s32 @p2 $0x1  }
0x17: {  	s4 =	simm.s32 $0x1BF5;
	[smem:$0x3FB6] =	sst s0  }
0x18: {  	s0 =	sld [smem:$0x3F99];
	_ =	swait.ge [sflag:s4], $0x0  }
0x19: {  	s7 =	sld [smem:$0x3F9A]  }
0x1a: {  	s8 =	sadd.s32 $0xFFFFE003, lr  }
0x1b: {  	s9 =	sadd.s32 $0xFFFFFEF7, lr;
	s5 =	simm.s32 $0xFFFFFFFF;
	p2 =	slt.u32 s8, $0xFFFFF086  }
0x1c: {  	p1 =	slt.u32 s9, $0xF7A;
	s5 =	simm.s32 @!p2 $0x0  }
0x1d: {  	s5 =	simm.s32 @p1 $0x1;
	p0 =	seq.s32 s7, s2  }
0x1e: {  	s7 =	smul.u32 @!p0 $0xF7A, s2;
	p2 =	seq.s32 @!p0 s5, $0x0  }
0x1f: {  	s9 =	smul.u32 $0xF7A, s1;
	s8 =	simm.s32 @!p0 $0x1BF5;
	p2 =	por !p2, p0  }
0x20: {  	[sflag:s8] =	ssyncset.s32 @!p0 $0xFFFFF086;
	s6 =	sadd.s32 @!p0 s3, s7;
	s7 =	simm.s32 @!p0 $0x108  }
0x21: {  	s3 =	sadd.s32 s3, s9;
	s6 =	sadd.s32 @!p0 $0x88, s6;
	s7 =	simm.s32 @p2 $0x1082  }
0x22: {  	[simem:s7], [sflag:s8] =	dma.local @!p0 [hbm:s6], $0xF7A  }
0x23: {  	s9 =	sor.u32 $0xD0000000, s2;
	s6 =	simm.s32 $0x108;
	_ =	swait.ge @!p0 [sflag:s8], $0x0  }
0x24: {  	s3 =	sadd.s32 $0x88, s3;
	s6 =	simm.s32 @!p1 $0x1082;
	[sflag:s4] =	ssyncset.s32 $0xFFFFF086  }
0x25: {  	[simem:s6], [sflag:s4] =	dma.local [hbm:s3], $0xF7A  }
0x26: {  	[smem:$0x3F9A] =	sst s1;
	(tag) =	ssettag s2;
	_ =	strace s9  }
0x27: {  	s1 =	sld [smem:$0x3FAA]  }
0x28: {  	s2 =	sld [smem:$0x3FAB]  }
0x29: {  	s4 =	sld [smem:$0x3FAD]  }
0x2a: {  	p0 =	seq.s32 s5, $0x0;
	s5 =	sld [smem:$0x3FAE]  }
0x2b: {  	s6 =	sld [smem:$0x3FAF]  }
0x2c: {  	s7 =	sld [smem:$0x3FB0]  }
0x2d: {  	s3 =	simm.s32 $0x108;
	s8 =	sld [smem:$0x3FB1]  }
0x2e: {  	s3 =	simm.s32 @!p0 $0x1082;
	s9 =	sld [smem:$0x3FB2]  }
0x2f: {  	lr =	sadd.s32 s0, s3;
	s0 =	sld [smem:$0x3FA9]  }
0x30: {  	s3 =	sld [smem:$0x3FAC]  }
0x31: {  	[smem:$0x3FB5] =	sst s10  }
0x32: {  	s10 =	sld [smem:$0x3FB3];
	_ =	sdelay $0x3  }
0x33: {  	p0 =	seq.s32 s10, $0x1;
	s10 =	sld [smem:$0x3FB5];
	_ =	sdelay $0x3  }
0x34: {  	[smem:$0x3FB5] =	sst s10  }
0x35: {  	s10 =	sld [smem:$0x3FB4];
	_ =	sdelay $0x3  }
0x36: {  	p1 =	seq.s32 s10, $0x1;
	s10 =	sld [smem:$0x3FB5];
	_ =	sdelay $0x3  }
0x37: {  	[smem:$0x3FB5] =	sst s10  }
0x38: {  	s10 =	sld [smem:$0x3FB6]  }
0x39: {  	_ = 	snop;
	(pc) =	sbr.ind lr, $3  }
0x3a: {  	_ = 	snop  }
0x3b: {  	_ = 	snop  }
0x3c: {  	p2 =	seq.s32 s10, $0x1;
	s10 =	sld [smem:$0x3FB5]  }
0x3d: {  	_ =	shalt  }
0x3e: {  	_ =	shalt  }
0x3f: {  	_ =	shalt  }
0x40: {  	_ =	shalt  }
0x41: {  	_ =	shalt  }
0x42: {  	_ =	shalt  }
0x43: {  	_ =	shalt  }
0x44: {  	_ =	shalt  }
0x45: {  	_ =	shalt  }
0x46: {  	_ =	shalt  }
0x47: {  	_ =	shalt  }
0x48: {  	_ =	shalt  }
0x49: {  	_ =	shalt  }
0x4a: {  	_ =	shalt  }
0x4b: {  	_ =	shalt  }
0x4c: {  	_ =	shalt  }
0x4d: {  	_ =	shalt  }
0x4e: {  	_ =	shalt  }
0x4f: {  	_ =	shalt  }
0x50: {  	_ =	shalt  }
0x51: {  	_ =	shalt  }
0x52: {  	_ =	shalt  }
0x53: {  	_ =	shalt  }
0x54: {  	_ =	shalt  }
0x55: {  	_ =	shalt  }
0x56: {  	_ =	shalt  }
0x57: {  	_ =	shalt  }
0x58: {  	_ =	shalt  }
0x59: {  	_ =	shalt  }
0x5a: {  	_ =	shalt  }
0x5b: {  	_ =	shalt  }
0x5c: {  	_ =	shalt  }
0x5d: {  	_ =	shalt  }
0x5e: {  	_ =	shalt  }
0x5f: {  	_ =	shalt  }
0x60: {  	_ =	shalt  }
0x61: {  	_ =	shalt  }
0x62: {  	_ =	shalt  }
0x63: {  	_ =	shalt  }
0x64: {  	_ =	shalt  }
0x65: {  	_ =	shalt  }
0x66: {  	_ =	shalt  }
0x67: {  	_ =	shalt  }
0x68: {  	_ =	shalt  }
0x69: {  	_ =	shalt  }
0x6a: {  	_ =	shalt  }
0x6b: {  	_ =	shalt  }
0x6c: {  	_ =	shalt  }
0x6d: {  	_ =	shalt  }
0x6e: {  	_ =	shalt  }
0x6f: {  	_ =	shalt  }
0x70: {  	_ =	shalt  }
0x71: {  	_ =	shalt  }
0x72: {  	_ =	shalt  }
0x73: {  	_ =	shalt  }
0x74: {  	_ =	shalt  }
0x75: {  	_ =	shalt  }
0x76: {  	_ =	shalt  }
0x77: {  	_ =	shalt  }
0x78: {  	_ =	shalt  }
0x79: {  	_ =	shalt  }
0x7a: {  	_ =	shalt  }
0x7b: {  	_ =	shalt  }
0x7c: {  	_ =	shalt  }
0x7d: {  	_ =	shalt  }
0x7e: {  	_ =	shalt  }
0x7f: {  	_ =	shalt  }
0x80: {  	_ =	shalt  }
0x81: {  	_ =	shalt  }
0x82: {  	_ =	shalt  }
0x83: {  	_ =	shalt  }
0x84: {  	_ =	shalt  }
0x85: {  	_ =	shalt  }
0x86: {  	_ =	shalt  }
0x87: {  	_ =	shalt  }
.Lfunc_end0:
.L_simem_size_0:
called_computation.1_lowered:
.L_overlay_start_0:
0x88: {  	s2 =	sld [smem:$0x3FD9]  }
0x89: {  	s3 =	sld [smem:$0x3FFE];
	_ =	sdelay $0x1  }
0x8a: {  	s1 =	srdreg.scid  }
0x8b: {  	s0 =	sand.u32 $0x1, s1  }
0x8c: {  	s17 =	sshll.u32 s0, $0xA;
	s2 =	sadd.s32 s3, s2  }
0x8d: {  	s2 =	sadd.s32 s2, s17  }
0x8e: {  	[smem:$0x3FC1] =	sst s2  }
0x8f: {  	_ = 	snop  }
0x90: {  	s2 =	sld [smem:$0x3FD0];
	(tm) =	ssettm $0x1  }
0x91: {  	s18 =	sld [smem:$0x3FFB];
	_ =	sdelay $0x3  }
0x92: {  	_ =	strace s18  }
0x93: {  	s3 =	sld [smem:$0x3FFC];
	_ =	sdelay $0x3  }
0x94: {  	_ =	strace s3  }
0x95: {  	s3 =	sld [smem:$0x3FFD];
	_ =	sdelay $0x3  }
0x96: {  	_ =	strace s3  }
0x97: {  	_ =	strace $0x8FFFFFFF  }
0x98: {  	s19 =	sld [smem:$0x3FDB];
	_ =	sdelay $0x1  }
0x99: {  	s4 =	simm.s32 $_scs_section_size  }
0x9a: {  	s5 =	simm.s32 $_size__tile_overlayer_lowered;
	s6 =	simm.s32 $_tile_overlayer_lowered  }
0x9b: {  	s22 =	simm.s32 $0x1BFF;
	s21 =	sshll.u32 s6, $0x1;
	s3 =	sadd.s32 s4, s19  }
0x9c: {  	s7 =	simm.s32 $0x0;
	s20 =	sshll.u32 s5, $0x1;
	s5 =	sadd.s32 s21, s3  }
0x9d: {  	[timem:s7], [sflag:s22] =	dma.local [hbm:s5], s20  }
0x9e: {  	_ =	swait.ge [sflag:s22], s20  }
0x9f: {  	s4 =	ssub.s32 $0x0, s20;
	[sflag:s22] =	ssyncset.done $0x0  }
0xa0: {  	[sflag:s22] =	ssyncadd.s32 s4;
	_ =	sdelay $0x1  }
0xa1: {  	s23 =	simm.s32 $0x1B8B  }
0xa2: {  	_ =	swait.ge [sflag:s23], $0x1  }
0xa3: {  	[sflag:s23] =	ssyncset.done $0x0  }
0xa4: {  	s25 =	simm.s32 $0x1B8E;
	s24 =	sld [smem:$0x3FFE];
	[sflag:s23] =	ssyncadd.s32 $0xFFFFFFFF  }
0xa5: {  	s26 =	simm.s32 $execute0_lowered;
	[smem:$0x3FD2] =	sst s25  }
0xa6: {  	s5 =	sshll.u32 s26, $0x1;
	_ =	strace $0x80000049;
	[dreg:$0x1] =	wrdreg $0xFFFFFFFF  }
0xa7: {  	s28 =	simm.s32 $_size_execute0_lowered;
	s3 =	sadd.s32 s3, s5;
	[dreg:$0x0] =	wrdreg $0x0  }
0xa8: {  	s5 =	sshll.u32 s28, $0x1;
	[dreg:$0x2] =	wrdreg s3  }
0xa9: {  	[dreg:$0x3] =	wrdreg s5  }
0xaa: {  	[dreg:$0x4] =	wrdreg $0xC0  }
0xab: {  	_ =	task [dreg:s7], $0x5FFFF  }
0xac: {  	[dreg:$0x1] =	wrdreg $0xFFFFFFFF  }
0xad: {  	[dreg:$0x0] =	wrdreg $0x60  }
0xae: {  	[dreg:$0x2] =	wrdreg s24  }
0xaf: {  	[dreg:$0x3] =	wrdreg s2  }
0xb0: {  	[dreg:$0x4] =	wrdreg $0x94000  }
0xb1: {  	[dreg:$0x5] =	wrdreg $0x9  }
0xb2: {  	_ =	task.clear_ibuf [dreg:s7], $0x6FFFF;
	_ =	strace $0x90000049  }
0xb3: {  	s29 =	simm.s32 $0x9;
	_ =	strace $0x8000004B  }
0xb4: {  	_ =	swait.ge [sflag:s29], $0x1  }
0xb5: {  	[sflag:s29] =	ssyncadd.s32 $0xFFFFFFFF  }
0xb6: {  	_ =	strace $0x9000004B  }
0xb7: {  	_ =	sfence  }
0xb8: {  	s30 =	sld [smem:$0x0];
	_ =	sdelay $0x2  }
0xb9: {  	s31 =	sshll.u32 s1, $0xD;
	s1 =	sshrl.u32 s1, $0x2  }
0xba: {  	s3 =	sand.u32 $0x4000, s31;
	s1 =	sadd.s32 s1, s30  }
0xbb: {  	s0 =	sor.u32 s3, s0;
	s1 =	sshll.u32 s1, $0x11  }
0xbc: {  	s0 =	sor.u32 s1, s0  }
0xbd: {  	s0 =	sadd.s32 $0x8F2B, s0  }
0xbe: {  	[sflag:s0] =	ssyncadd.remote.s32 $0x1  }
0xbf: {  	_ =	sfence.sel $0xFFFF  }
0xc0: {  	[dreg:$0x0] =	wrdreg $0xFFFFFFFF;
	(pc) =	sbr.abs _section_cstart, $3  }
0xc1: {  	[dreg:$0x1] =	wrdreg $0xFFFFFFFF  }
0xc2: {  	_ =	task.clear_ibuf [dreg:s7], $0x2FFFF;
	_ =	strace $0x9FFFFFFF  }
0xc3: {  	(tm) =	ssettm $0x7FFFFFFF  }
tec
execute0_lowered:
.L_overlay_start_1:
0x0: {  	(tag) =	ssettag $0x1  }
0x1: {  	s0 =	rddreg [dreg:$0x0]  }
0x2: {  	s1 =	rddreg [dreg:$0x1]  }
0x3: {  	s2 =	rddreg [dreg:$0x2];
	s4 =	simm.s32 $0x0  }
0x4: {  	s3 =	srdreg.scid;
	s10 =	stileid.u32;
	s15 =	simm.s32 $0xF80  }
0x5: {  	s28 =	simm.s32 $0x1180;
	s29 =	simm.s32 $0xD00;
	s30 =	simm.s32 $0xD80  }
0x6: {  	s31 =	simm.s32 $0x1200;
	s14 =	simm.s32 $0xE00;
	s13 =	simm.s32 $0x0  }
0x7: {  	[smem:$0x7FF] =	sst s4;
	s3 =	sand.u32 $0x1, s3;
	s5 =	smul.u32 $0x14000, s10  }
0x8: {  	s7 =	sadd.s32 $0x2000, s0;
	s8 =	sadd.s32 $0xC000, s0;
	s20 =	smul.u32 $0x2800, s10  }
0x9: {  	s9 =	sadd.s32 $0x16000, s0;
	s21 =	smul.u32 $0x50000, s10;
	s23 =	sshll.u32 s10, $0x6  }
0xa: {  	s16 =	smul.u32 $0x140000, s3;
	_ =	strace $0x8000004A;
	s6 =	sshll.u32 s3, $0x4  }
0xb: {  	[dreg:$0x4] =	wrdreg s9;
	s18 =	ssub.s32 $0x2, s3;
	s3 =	smul.u32 $0x28000, s3  }
0xc: {  	[dreg:$0x7] =	wrdreg s23;
	s9 =	simm.s32 $0x0;
	s6 =	sor.u32 s10, s6  }
0xd: {  	s19 =	sshrl.u32 s18, $0x1;
	s22 =	sshrl.u32 s21, $0x2;
	s21 =	simm.s32 $0x1  }
0xe: {  	s4 =	sadd.s32 s5, s16;
	s17 =	smul.u32 $0x2800, s6;
	s3 =	sadd.s32 s20, s3  }
0xf: {  	s6 =	sor.u32 $0x1C03, s23;
	s20 =	simm.s32 $0x5400;
	s16 =	simm.s32 $0xB00  }
0x10: {  	s23 =	simm.s32 $0x1080;
	s4 =	sshrl.u32 s4, $0x3;
	s3 =	sor.u32 $0x500, s3  }
0x11: {  	[dreg:$0x8] =	wrdreg s6;
	s6 =	simm.s32 $0x1380;
	s0 =	sadd.s32 s4, s0  }
0x12: {  	s4 =	ssub.s32 s18, s19;
	s5 =	sshrl.u32 s17, $0x3;
	s3 =	sshrl.u32 s3, $0x3  }
0x13: {  	s17 =	simm.s32 $0x3;
	s18 =	simm.s32 $0x80;
	s11 =	sadd.s32 s7, s5  }
0x14: {  	s19 =	simm.s32 $0x1400;
	s5 =	sadd.s32 s8, s5;
	[dreg:$0x5] =	wrdreg s11  }
0x15: {  	s0 =	sadd.s32 $0x18800, s0;
	s24 =	smax.u32 s4, $0x1;
	[dreg:$0x6] =	wrdreg s5  }
0x16: {  	s25 =	sadd.s32 s3, s8;
	s26 =	sadd.s32 s3, s7;
	[dreg:$0x9] =	wrdreg s0  }
.Ltmp0:
0x17: {  	s4 =	simm.s32 $0xB80;
	[dreg:$0xa] =	wrdreg s24;
	(pc) =	sbr.rel .LBB2_1-.Ltmp0, $4  }
0x18: {  	s3 =	simm.s32 $0xE80;
	s5 =	sadd.s32 s22, s2;
	[dreg:$0xb] =	wrdreg s25  }
0x19: {  	[dreg:$0xc] =	wrdreg s26;
	s22 =	simm.s32 $0x1000;
	s24 =	simm.s32 $0xC00  }
0x1a: {  	s25 =	simm.s32 $0xC80;
	s26 =	simm.s32 $0x1100;
	s10 =	sshrl.u32 s5, $0x3  }
0x1b: {  	s0 =	simm.s32 $0x1280;
	s5 =	simm.s32 $0x1300;
	[dreg:$0xd] =	wrdreg s10  }
.LBB2_7:
0x1c: {  	[bflag:$0x0] =	sbarrier.arrive $0xFFFF  }
0x1d: {  	s7 =	rddreg [dreg:$0x7]  }
0x1e: {  	s8 =	rddreg [dreg:$0x9]  }
0x1f: {  	s11 =	simm.s32 $0x4;
	s10 =	rddreg [dreg:$0xd];
	s7 =	sor.u32 $0x1C04, s7  }
0x20: {  	[hbm:s8], [sflag:s7] =	dma.local [spmem:s10], $0x2800  }
0x21: {  	_ =	swait.ge [sflag:s11], $0x2800  }
0x22: {  	s9 =	rddreg [dreg:$0xe]  }
0x23: {  	s12 =	rddreg [dreg:$0xa];
	s9 =	sadd.s32 $0x1, s9  }
0x24: {  	p0 =	sne.s32 s9, s12  }
.Ltmp1:
0x25: {  	_ = 	snop;
	(pc) =	sbr.rel @!p0 .LBB2_8-.Ltmp1, $3  }
0x26: {  	_ =	sdelay $0x1  }
0x27: {  	[sflag:s11] =	ssyncset.done $0x0  }
0x28: {  	[sflag:s11] =	ssyncadd.s32 $0xFFFFD800  }
.LBB2_1:
0x29: {  	[dreg:$0xe] =	wrdreg s9  }
0x2a: {  	s8 =	rddreg [dreg:$0x5]  }
0x2b: {  	s7 =	simm.s32 $0x0;
	s11 =	rddreg [dreg:$0x6]  }
0x2c: {  	[tilespmem:s7], [sflag:$0x2] =	stream.linear.gather [hbm4b:s8+s7], $0x500, $0x38;
	[tilespmem:$0x1D400] =	vst v63  }
0x2d: {  	s12 =	simm.s32 $0x500;
	s9 =	rddreg [dreg:$0x4]  }
0x2e: {  	[tilespmem:s12], [sflag:$0x2] =	stream.linear.gather [hbm4b:s11+s7], $0x500, $0x38;
	[tilespmem:$0x1D400] =	vst v63  }
0x2f: {  	s11 =	rddreg [dreg:$0x8];
	s12 =	simm.s32 $0x2  }
0x30: {  	[spmem:s10], [sflag:s11] =	dma.local [hbm:s9], $0x2800  }
0x31: {  	_ =	swait.ge [sflag:s12], $0x500  }
0x32: {  	[sflag:s12] =	ssyncset.done $0x0  }
0x33: {  	[sflag:s12] =	ssyncadd.s32 $0xFFFFFB00  }
0x34: {  	_ =	swait.ge [sflag:s12], $0x500  }
0x35: {  	[sflag:s12] =	ssyncset.done $0x0  }
0x36: {  	[sflag:s12] =	ssyncadd.s32 $0xFFFFFB00  }
0x37: {  	_ =	swait.ge [sflag:s17], $0x2800  }
.Ltmp2:
0x38: {  	[sflag:s17] =	ssyncset.done $0x0;
	(pc) =	sbr.rel .LBB2_2-.Ltmp2, $4  }
0x39: {  	[sflag:s17] =	ssyncadd.s32 $0xFFFFD800  }
0x3a: {  	[bflag:$0x0] =	sbarrier.arrive $0xFFFF  }
0x3b: {  	s7 =	rddreg [dreg:$0xc]  }
0x3c: {  	s10 =	simm.s32 $0x0;
	s9 =	rddreg [dreg:$0xb]  }
.LBB2_6:
0x3d: {  	s8 =	simm.s32 @!p1 $0x2  }
0x3e: {  	_ =	swait.ge @!p1 [sflag:s8], $0x500  }
0x3f: {  	[sflag:s8] =	ssyncset.done @!p1 $0x0  }
0x40: {  	[sflag:s8] =	ssyncadd.s32 @!p1 $0xFFFFFB00  }
0x41: {  	_ =	swait.ge @!p1 [sflag:s8], $0x500  }
0x42: {  	[sflag:s8] =	ssyncset.done @!p1 $0x0  }
0x43: {  	s10 =	sadd.s32 $0x1, s10;
	[sflag:s8] =	ssyncadd.s32 @!p1 $0xFFFFFB00;
	s8 =	simm.s32 @p0 $0x2  }
0x44: {  	p1 =	sne.s32 s10, $0x8;
	_ =	swait.ge @p0 [sflag:s8], $0x500  }
.Ltmp3:
0x45: {  	[sflag:s8] =	ssyncset.done @p0 $0x0;
	(pc) =	sbr.rel @!p1 .LBB2_7-.Ltmp3, $4  }
0x46: {  	[sflag:s8] =	ssyncadd.s32 @p0 $0xFFFFFB00  }
0x47: {  	_ =	swait.ge @p0 [sflag:s8], $0x500  }
0x48: {  	[sflag:s8] =	ssyncset.done @p0 $0x0  }
0x49: {  	s9 =	sadd.s32 $0xA0, s9;
	s7 =	sadd.s32 $0xA0, s7;
	[sflag:s8] =	ssyncadd.s32 @p0 $0xFFFFFB00  }
.LBB2_2:
0x4a: {  	s11 =	sand.u32 $0x1, s10  }
0x4b: {  	p2 =	seq.s32 s11, $0x1  }
0x4c: {  	p0 =	sne.s32 s10, $0x7;
	s8 =	simm.s32 @!p2 $0x0;
	s12 =	simm.s32 @!p2 $0xA00  }
0x4d: {  	[tilespmem:s12], [sflag:$0x2] =	stream.linear.gather @!p2 [hbm4b:s7+s8], $0x500, $0x38;
	[tilespmem:$0x1D400] =	vst v63  }
0x4e: {  	p1 =	sne.s32 s11, $0x0;
	p0 =	por !p0, !p2;
	s12 =	simm.s32 @!p2 $0xF00  }
0x4f: {  	[tilespmem:s12], [sflag:$0x2] =	stream.linear.gather @!p2 [hbm4b:s9+s8], $0x500, $0x38;
	[tilespmem:$0x1D400] =	vst v63  }
.Ltmp4:
0x50: {  	p0 =	por !p0, !p0;
	(pc) =	sbr.rel @p1 .LBB2_4-.Ltmp4, $4  }
0x51: {  	s8 =	simm.s32 @p0 $0x0  }
0x52: {  	[tilespmem:s8], [sflag:$0x2] =	stream.linear.gather @p0 [hbm4b:s7+s8], $0x500, $0x38;
	[tilespmem:$0x1D400] =	vst v63  }
0x53: {  	s12 =	simm.s32 @p0 $0x500  }
0x54: {  	[tilespmem:s12], [sflag:$0x2] =	stream.linear.gather @p0 [hbm4b:s9+s8], $0x500, $0x38;
	[tilespmem:$0x1D400] =	vst v63  }
0x55: {  	[tilespmem:s19], [sflag:$0x1] =	stream.indirect.gather [hbm4b:s1+s18], $0x80, s13, s18, $0xb8;
	[tilespmem:$0x1D400] =	vst v63  }
0x56: {  	_ = 	snop  }
0x57: {  	[tilespmem:s20], [sflag:$0x1] =	stream.indirect.gather [hbm4b:s1+s18], $0x80, s18, s18, $0xb8;
	[tilespmem:$0x1D400] =	vst v63  }
0x58: {  	_ =	swait.ge [sflag:s21], $0x4000  }
0x59: {  	[sflag:s21] =	ssyncset.done $0x0  }
0x5a: {  	s8 =	simm.s32 $0x500;
	[sflag:s21] =	ssyncadd.s32 $0xFFFFC000  }
0x5b: {  	[spmem:s2] =	stream.indirect.scatter.add.f32 [tilespmem:s19], [sflag:$0x3], $0x80, s8, s18, $0xb8;
	[tilespmem:$0x1D400] =	vst v63  }
0x5c: {  	_ =	swait.ge [sflag:s21], $0x4000  }
0x5d: {  	[sflag:s21] =	ssyncset.done $0x0  }
0x5e: {  	s12 =	simm.s32 $0x580;
	[sflag:s21] =	ssyncadd.s32 $0xFFFFC000  }
0x5f: {  	[spmem:s2] =	stream.indirect.scatter.add.f32 [tilespmem:s20], [sflag:$0x3], $0x80, s12, s18, $0xb8;
	[tilespmem:$0x1D400] =	vst v63  }
0x60: {  	_ =	swait.ge [sflag:s17], $0x4000  }
0x61: {  	[sflag:s17] =	ssyncset.done $0x0  }
0x62: {  	s11 =	simm.s32 $0x100;
	[sflag:s17] =	ssyncadd.s32 $0xFFFFC000  }
0x63: {  	[tilespmem:s19], [sflag:$0x1] =	stream.indirect.gather [hbm4b:s1+s18], $0x80, s11, s18, $0xb8;
	[tilespmem:$0x1D400] =	vst v63  }
0x64: {  	_ =	swait.ge [sflag:s17], $0x4000  }
0x65: {  	[sflag:s17] =	ssyncset.done $0x0  }
0x66: {  	s12 =	simm.s32 $0x180;
	[sflag:s17] =	ssyncadd.s32 $0xFFFFC000  }
0x67: {  	[tilespmem:s20], [sflag:$0x1] =	stream.indirect.gather [hbm4b:s1+s18], $0x80, s12, s18, $0xb8;
	[tilespmem:$0x1D400] =	vst v63  }
0x68: {  	_ =	swait.ge [sflag:s21], $0x4000  }
0x69: {  	[sflag:s21] =	ssyncset.done $0x0  }
0x6a: {  	s11 =	simm.s32 $0x600;
	[sflag:s21] =	ssyncadd.s32 $0xFFFFC000  }
0x6b: {  	[spmem:s2] =	stream.indirect.scatter.add.f32 [tilespmem:s19], [sflag:$0x3], $0x80, s11, s18, $0xb8;
	[tilespmem:$0x1D400] =	vst v63  }
0x6c: {  	_ =	swait.ge [sflag:s21], $0x4000  }
0x6d: {  	[sflag:s21] =	ssyncset.done $0x0  }
0x6e: {  	s12 =	simm.s32 $0x680;
	[sflag:s21] =	ssyncadd.s32 $0xFFFFC000  }
0x6f: {  	[spmem:s2] =	stream.indirect.scatter.add.f32 [tilespmem:s20], [sflag:$0x3], $0x80, s12, s18, $0xb8;
	[tilespmem:$0x1D400] =	vst v63  }
0x70: {  	_ =	swait.ge [sflag:s17], $0x4000  }
0x71: {  	[sflag:s17] =	ssyncset.done $0x0  }
0x72: {  	s11 =	simm.s32 $0x200;
	[sflag:s17] =	ssyncadd.s32 $0xFFFFC000  }
0x73: {  	[tilespmem:s19], [sflag:$0x1] =	stream.indirect.gather [hbm4b:s1+s18], $0x80, s11, s18, $0xb8;
	[tilespmem:$0x1D400] =	vst v63  }
0x74: {  	_ =	swait.ge [sflag:s17], $0x4000  }
0x75: {  	[sflag:s17] =	ssyncset.done $0x0  }
0x76: {  	s12 =	simm.s32 $0x280;
	[sflag:s17] =	ssyncadd.s32 $0xFFFFC000  }
0x77: {  	[tilespmem:s20], [sflag:$0x1] =	stream.indirect.gather [hbm4b:s1+s18], $0x80, s12, s18, $0xb8;
	[tilespmem:$0x1D400] =	vst v63  }
0x78: {  	_ =	swait.ge [sflag:s21], $0x4000  }
0x79: {  	[sflag:s21] =	ssyncset.done $0x0  }
0x7a: {  	s11 =	simm.s32 $0x700;
	[sflag:s21] =	ssyncadd.s32 $0xFFFFC000  }
0x7b: {  	[spmem:s2] =	stream.indirect.scatter.add.f32 [tilespmem:s19], [sflag:$0x3], $0x80, s11, s18, $0xb8;
	[tilespmem:$0x1D400] =	vst v63  }
0x7c: {  	_ =	swait.ge [sflag:s21], $0x4000  }
0x7d: {  	[sflag:s21] =	ssyncset.done $0x0  }
0x7e: {  	s12 =	simm.s32 $0x780;
	[sflag:s21] =	ssyncadd.s32 $0xFFFFC000  }
0x7f: {  	[spmem:s2] =	stream.indirect.scatter.add.f32 [tilespmem:s20], [sflag:$0x3], $0x80, s12, s18, $0xb8;
	[tilespmem:$0x1D400] =	vst v63  }
0x80: {  	_ =	swait.ge [sflag:s17], $0x4000  }
0x81: {  	[sflag:s17] =	ssyncset.done $0x0  }
0x82: {  	s11 =	simm.s32 $0x300;
	[sflag:s17] =	ssyncadd.s32 $0xFFFFC000  }
0x83: {  	[tilespmem:s19], [sflag:$0x1] =	stream.indirect.gather [hbm4b:s1+s18], $0x80, s11, s18, $0xb8;
	[tilespmem:$0x1D400] =	vst v63  }
0x84: {  	_ =	swait.ge [sflag:s17], $0x4000  }
0x85: {  	[sflag:s17] =	ssyncset.done $0x0  }
0x86: {  	s12 =	simm.s32 $0x380;
	[sflag:s17] =	ssyncadd.s32 $0xFFFFC000  }
0x87: {  	[tilespmem:s20], [sflag:$0x1] =	stream.indirect.gather [hbm4b:s1+s18], $0x80, s12, s18, $0xb8;
	[tilespmem:$0x1D400] =	vst v63  }
0x88: {  	_ =	swait.ge [sflag:s21], $0x4000  }
0x89: {  	[sflag:s21] =	ssyncset.done $0x0  }
0x8a: {  	s11 =	simm.s32 $0x800;
	[sflag:s21] =	ssyncadd.s32 $0xFFFFC000  }
0x8b: {  	[spmem:s2] =	stream.indirect.scatter.add.f32 [tilespmem:s19], [sflag:$0x3], $0x80, s11, s18, $0xb8;
	[tilespmem:$0x1D400] =	vst v63  }
0x8c: {  	_ =	swait.ge [sflag:s21], $0x4000  }
0x8d: {  	[sflag:s21] =	ssyncset.done $0x0  }
0x8e: {  	s12 =	simm.s32 $0x880;
	[sflag:s21] =	ssyncadd.s32 $0xFFFFC000  }
0x8f: {  	[spmem:s2] =	stream.indirect.scatter.add.f32 [tilespmem:s20], [sflag:$0x3], $0x80, s12, s18, $0xb8;
	[tilespmem:$0x1D400] =	vst v63  }
0x90: {  	_ =	swait.ge [sflag:s17], $0x4000  }
0x91: {  	[sflag:s17] =	ssyncset.done $0x0  }
0x92: {  	s11 =	simm.s32 $0x400;
	[sflag:s17] =	ssyncadd.s32 $0xFFFFC000  }
0x93: {  	[tilespmem:s19], [sflag:$0x1] =	stream.indirect.gather [hbm4b:s1+s18], $0x80, s11, s18, $0xb8;
	[tilespmem:$0x1D400] =	vst v63  }
0x94: {  	_ =	swait.ge [sflag:s17], $0x4000  }
0x95: {  	[sflag:s17] =	ssyncset.done $0x0  }
0x96: {  	s12 =	simm.s32 $0x480;
	[sflag:s17] =	ssyncadd.s32 $0xFFFFC000  }
0x97: {  	[tilespmem:s20], [sflag:$0x1] =	stream.indirect.gather [hbm4b:s1+s18], $0x80, s12, s18, $0xb8;
	[tilespmem:$0x1D400] =	vst v63  }
0x98: {  	_ =	swait.ge [sflag:s21], $0x4000  }
0x99: {  	[sflag:s21] =	ssyncset.done $0x0  }
0x9a: {  	s11 =	simm.s32 $0x900;
	[sflag:s21] =	ssyncadd.s32 $0xFFFFC000  }
0x9b: {  	[spmem:s2] =	stream.indirect.scatter.add.f32 [tilespmem:s19], [sflag:$0x3], $0x80, s11, s18, $0xb8;
	[tilespmem:$0x1D400] =	vst v63  }
0x9c: {  	_ =	swait.ge [sflag:s21], $0x4000  }
0x9d: {  	[sflag:s21] =	ssyncset.done $0x0  }
0x9e: {  	s12 =	simm.s32 $0x980;
	[sflag:s21] =	ssyncadd.s32 $0xFFFFC000  }
0x9f: {  	[spmem:s2] =	stream.indirect.scatter.add.f32 [tilespmem:s20], [sflag:$0x3], $0x80, s12, s18, $0xb8;
	[tilespmem:$0x1D400] =	vst v63  }
0xa0: {  	_ =	swait.ge [sflag:s17], $0x4000  }
0xa1: {  	[sflag:s17] =	ssyncset.done $0x0  }
0xa2: {  	[sflag:s17] =	ssyncadd.s32 $0xFFFFC000  }
0xa3: {  	_ =	swait.ge [sflag:s17], $0x4000  }
0xa4: {  	[sflag:s17] =	ssyncset.done $0x0  }
0xa5: {  	[sflag:s17] =	ssyncadd.s32 $0xFFFFC000  }
.LBB2_4:
.Ltmp5:
0xa6: {  	(pc) =	sbr.rel @!p2 .LBB2_6-.Ltmp5, $1  }
0xa7: {  	_ =	sdelay $0x3  }
0xa8: {  	s8 =	simm.s32 $0xA00  }
0xa9: {  	[tilespmem:s19], [sflag:$0x1] =	stream.indirect.gather [hbm4b:s1+s18], $0x80, s8, s18, $0xb8;
	[tilespmem:$0x1D400] =	vst v63  }
0xaa: {  	s11 =	simm.s32 $0xA80  }
0xab: {  	[tilespmem:s20], [sflag:$0x1] =	stream.indirect.gather [hbm4b:s1+s18], $0x80, s11, s18, $0xb8;
	[tilespmem:$0x1D400] =	vst v63  }
0xac: {  	_ =	swait.ge [sflag:s21], $0x4000  }
0xad: {  	[sflag:s21] =	ssyncset.done $0x0  }
0xae: {  	s12 =	simm.s32 $0xF00;
	[sflag:s21] =	ssyncadd.s32 $0xFFFFC000  }
0xaf: {  	[spmem:s2] =	stream.indirect.scatter.add.f32 [tilespmem:s19], [sflag:$0x3], $0x80, s12, s18, $0xb8;
	[tilespmem:$0x1D400] =	vst v63  }
0xb0: {  	_ =	swait.ge [sflag:s21], $0x4000  }
0xb1: {  	[sflag:s21] =	ssyncset.done $0x0  }
0xb2: {  	[sflag:s21] =	ssyncadd.s32 $0xFFFFC000  }
0xb3: {  	[spmem:s2] =	stream.indirect.scatter.add.f32 [tilespmem:s20], [sflag:$0x3], $0x80, s15, s18, $0xb8;
	[tilespmem:$0x1D400] =	vst v63  }
0xb4: {  	_ =	swait.ge [sflag:s17], $0x4000  }
0xb5: {  	[sflag:s17] =	ssyncset.done $0x0  }
0xb6: {  	[sflag:s17] =	ssyncadd.s32 $0xFFFFC000  }
0xb7: {  	[tilespmem:s19], [sflag:$0x1] =	stream.indirect.gather [hbm4b:s1+s18], $0x80, s16, s18, $0xb8;
	[tilespmem:$0x1D400] =	vst v63  }
0xb8: {  	_ =	swait.ge [sflag:s17], $0x4000  }
0xb9: {  	[sflag:s17] =	ssyncset.done $0x0  }
0xba: {  	[sflag:s17] =	ssyncadd.s32 $0xFFFFC000  }
0xbb: {  	[tilespmem:s20], [sflag:$0x1] =	stream.indirect.gather [hbm4b:s1+s18], $0x80, s4, s18, $0xb8;
	[tilespmem:$0x1D400] =	vst v63  }
0xbc: {  	_ =	swait.ge [sflag:s21], $0x4000  }
0xbd: {  	[sflag:s21] =	ssyncset.done $0x0  }
0xbe: {  	[sflag:s21] =	ssyncadd.s32 $0xFFFFC000  }
0xbf: {  	[spmem:s2] =	stream.indirect.scatter.add.f32 [tilespmem:s19], [sflag:$0x3], $0x80, s22, s18, $0xb8;
	[tilespmem:$0x1D400] =	vst v63  }
0xc0: {  	_ =	swait.ge [sflag:s21], $0x4000  }
0xc1: {  	[sflag:s21] =	ssyncset.done $0x0  }
0xc2: {  	[sflag:s21] =	ssyncadd.s32 $0xFFFFC000  }
0xc3: {  	[spmem:s2] =	stream.indirect.scatter.add.f32 [tilespmem:s20], [sflag:$0x3], $0x80, s23, s18, $0xb8;
	[tilespmem:$0x1D400] =	vst v63  }
0xc4: {  	_ =	swait.ge [sflag:s17], $0x4000  }
0xc5: {  	[sflag:s17] =	ssyncset.done $0x0  }
0xc6: {  	[sflag:s17] =	ssyncadd.s32 $0xFFFFC000  }
0xc7: {  	[tilespmem:s19], [sflag:$0x1] =	stream.indirect.gather [hbm4b:s1+s18], $0x80, s24, s18, $0xb8;
	[tilespmem:$0x1D400] =	vst v63  }
0xc8: {  	_ =	swait.ge [sflag:s17], $0x4000  }
0xc9: {  	[sflag:s17] =	ssyncset.done $0x0  }
0xca: {  	[sflag:s17] =	ssyncadd.s32 $0xFFFFC000  }
0xcb: {  	[tilespmem:s20], [sflag:$0x1] =	stream.indirect.gather [hbm4b:s1+s18], $0x80, s25, s18, $0xb8;
	[tilespmem:$0x1D400] =	vst v63  }
0xcc: {  	_ =	swait.ge [sflag:s21], $0x4000  }
0xcd: {  	[sflag:s21] =	ssyncset.done $0x0  }
0xce: {  	[sflag:s21] =	ssyncadd.s32 $0xFFFFC000  }
0xcf: {  	[spmem:s2] =	stream.indirect.scatter.add.f32 [tilespmem:s19], [sflag:$0x3], $0x80, s26, s18, $0xb8;
	[tilespmem:$0x1D400] =	vst v63  }
0xd0: {  	_ =	swait.ge [sflag:s21], $0x4000  }
0xd1: {  	[sflag:s21] =	ssyncset.done $0x0  }
0xd2: {  	[sflag:s21] =	ssyncadd.s32 $0xFFFFC000  }
0xd3: {  	[spmem:s2] =	stream.indirect.scatter.add.f32 [tilespmem:s20], [sflag:$0x3], $0x80, s28, s18, $0xb8;
	[tilespmem:$0x1D400] =	vst v63  }
0xd4: {  	_ =	swait.ge [sflag:s17], $0x4000  }
0xd5: {  	[sflag:s17] =	ssyncset.done $0x0  }
0xd6: {  	[sflag:s17] =	ssyncadd.s32 $0xFFFFC000  }
0xd7: {  	[tilespmem:s19], [sflag:$0x1] =	stream.indirect.gather [hbm4b:s1+s18], $0x80, s29, s18, $0xb8;
	[tilespmem:$0x1D400] =	vst v63  }
0xd8: {  	_ =	swait.ge [sflag:s17], $0x4000  }
0xd9: {  	[sflag:s17] =	ssyncset.done $0x0  }
0xda: {  	[sflag:s17] =	ssyncadd.s32 $0xFFFFC000  }
0xdb: {  	[tilespmem:s20], [sflag:$0x1] =	stream.indirect.gather [hbm4b:s1+s18], $0x80, s30, s18, $0xb8;
	[tilespmem:$0x1D400] =	vst v63  }
0xdc: {  	_ =	swait.ge [sflag:s21], $0x4000  }
0xdd: {  	[sflag:s21] =	ssyncset.done $0x0  }
0xde: {  	[sflag:s21] =	ssyncadd.s32 $0xFFFFC000  }
0xdf: {  	[spmem:s2] =	stream.indirect.scatter.add.f32 [tilespmem:s19], [sflag:$0x3], $0x80, s31, s18, $0xb8;
	[tilespmem:$0x1D400] =	vst v63  }
0xe0: {  	_ =	swait.ge [sflag:s21], $0x4000  }
0xe1: {  	[sflag:s21] =	ssyncset.done $0x0  }
0xe2: {  	[sflag:s21] =	ssyncadd.s32 $0xFFFFC000  }
0xe3: {  	[spmem:s2] =	stream.indirect.scatter.add.f32 [tilespmem:s20], [sflag:$0x3], $0x80, s0, s18, $0xb8;
	[tilespmem:$0x1D400] =	vst v63  }
0xe4: {  	_ =	swait.ge [sflag:s17], $0x4000  }
0xe5: {  	[sflag:s17] =	ssyncset.done $0x0  }
0xe6: {  	[sflag:s17] =	ssyncadd.s32 $0xFFFFC000  }
0xe7: {  	[tilespmem:s19], [sflag:$0x1] =	stream.indirect.gather [hbm4b:s1+s18], $0x80, s14, s18, $0xb8;
	[tilespmem:$0x1D400] =	vst v63  }
0xe8: {  	_ =	swait.ge [sflag:s17], $0x4000  }
0xe9: {  	[sflag:s17] =	ssyncset.done $0x0  }
0xea: {  	[sflag:s17] =	ssyncadd.s32 $0xFFFFC000  }
0xeb: {  	[tilespmem:s20], [sflag:$0x1] =	stream.indirect.gather [hbm4b:s1+s18], $0x80, s3, s18, $0xb8;
	[tilespmem:$0x1D400] =	vst v63  }
0xec: {  	_ =	swait.ge [sflag:s21], $0x4000  }
0xed: {  	[sflag:s21] =	ssyncset.done $0x0  }
0xee: {  	[sflag:s21] =	ssyncadd.s32 $0xFFFFC000  }
0xef: {  	[spmem:s2] =	stream.indirect.scatter.add.f32 [tilespmem:s19], [sflag:$0x3], $0x80, s5, s18, $0xb8;
	[tilespmem:$0x1D400] =	vst v63  }
0xf0: {  	_ =	swait.ge [sflag:s21], $0x4000  }
0xf1: {  	[sflag:s21] =	ssyncset.done $0x0  }
0xf2: {  	[sflag:s21] =	ssyncadd.s32 $0xFFFFC000  }
0xf3: {  	[spmem:s2] =	stream.indirect.scatter.add.f32 [tilespmem:s20], [sflag:$0x3], $0x80, s6, s18, $0xb8;
	[tilespmem:$0x1D400] =	vst v63  }
0xf4: {  	_ =	swait.ge [sflag:s17], $0x4000  }
.Ltmp6:
0xf5: {  	[sflag:s17] =	ssyncset.done $0x0;
	(pc) =	sbr.rel .LBB2_6-.Ltmp6, $4  }
0xf6: {  	[sflag:s17] =	ssyncadd.s32 $0xFFFFC000  }
0xf7: {  	_ =	swait.ge [sflag:s17], $0x4000  }
0xf8: {  	[sflag:s17] =	ssyncset.done $0x0  }
0xf9: {  	[sflag:s17] =	ssyncadd.s32 $0xFFFFC000  }
.LBB2_8:
0xfa: {  	_ =	sfence.sel $0x180000  }
0xfb: {  	[bflag:$0x0] =	sbarrier.arrive $0xFFFF  }
0xfc: {  	_ =	strace $0x9000004A  }
0xfd: {  	s0 =	stileid.u32;
	[bflag:$0x2] =	sbarrier.arrive $0xFFFF  }
0xfe: {  	p0 =	sne.s32 s0, $0x0;
	s0 =	rddreg [dreg:$0x3]  }
0xff: {  	s0 =	sadd.s32 @!p0 $0x100000, s0  }
0x100: {  	[sflag:s0] =	ssyncadd.tile.s32 @!p0 $0x1;
	_ =	shalt  }
.Lfunc_end2:
_tile_overlayer_lowered:
.L_overlay_start_2:
0x101: {  	(tag) =	ssettag $0x2  }
0x102: {  	s0 =	rddreg [dreg:$0x0];
	s2 =	stileid.u32  }
0x103: {  	s1 =	rddreg [dreg:$0x1];
	p0 =	sne.s32 s2, $0x0  }
0x104: {  	s3 =	rddreg [dreg:$0x2];
	[bflag:$0x3] =	sbarrier.arrive $0xFFFF;
	s2 =	simm.s32 @!p0 $0x1C04  }
0x105: {  	[timem:s3], [sflag:s2] =	dma.local @!p0 [hbm:s0], s1  }
0x106: {  	s0 =	simm.s32 @!p0 $0x4  }
0x107: {  	_ =	swait.ge @!p0 [sflag:s0], s1  }
0x108: {  	s1 =	ssub.s32 @!p0 $0x0, s1;
	[sflag:s0] =	ssyncset.done @!p0 $0x0  }
0x109: {  	[sflag:s0] =	ssyncadd.s32 @!p0 s1  }
0x10a: {  	[bflag:$0x3] =	sbarrier.arrive $0xFFFF  }
0x10b: {  	_ =	shalt  }

// kernel: kernel.7.cloned.1.call-start
scs
__scs_entry_jumppad:
0x0: {  	(pc) =	sbr.rel $0x88, $3  }
0x1: {  	(tag) =	ssettag $0x0;
	lr =	simm.s32 $0x1  }
0x2: {  	[smem:$0x3F9A] =	sst lr;
	_ =	strace $0xD0000000  }
0x3: {  	_ = 	snop  }
0x4: {  	_ = 	snop  }
0x5: {  	_ = 	snop  }
0x6: {  	_ = 	snop  }
0x7: {  	_ = 	snop  }
__scs_overlays_trampoline_lowered:
0x8: {  	[smem:$0x3FA9] =	sst s0  }
0x9: {  	[smem:$0x3FAA] =	sst s1  }
0xa: {  	[smem:$0x3FAB] =	sst s2  }
0xb: {  	[smem:$0x3FAC] =	sst s3  }
0xc: {  	[smem:$0x3FAD] =	sst s4  }
0xd: {  	[smem:$0x3FAE] =	sst s5  }
0xe: {  	[smem:$0x3FAF] =	sst s6  }
0xf: {  	[smem:$0x3FB0] =	sst s7  }
0x10: {  	[smem:$0x3FB1] =	sst s8  }
0x11: {  	[smem:$0x3FB2] =	sst s9;
	s0 =	simm.s32 @!p0 $0x0  }
0x12: {  	s1 =	sld [smem:$0x3F98];
	s0 =	simm.s32 @p0 $0x1  }
0x13: {  	[smem:$0x3FB3] =	sst s0;
	s0 =	simm.s32 @!p1 $0x0  }
0x14: {  	s2 =	sld [smem:$0x3F97];
	s0 =	simm.s32 @p1 $0x1  }
0x15: {  	[smem:$0x3FB4] =	sst s0;
	s0 =	simm.s32 @!p2 $0x0  }
0x16: {  	s3 =	sld [smem:$0x3FDB];
	s0 =	simm.s32 @p2 $0x1  }
0x17: {  	s4 =	simm.s32 $0x1BF5;
	[smem:$0x3FB6] =	sst s0  }
0x18: {  	s0 =	sld [smem:$0x3F99];
	_ =	swait.ge [sflag:s4], $0x0  }
0x19: {  	s7 =	sld [smem:$0x3F9A]  }
0x1a: {  	s8 =	sadd.s32 $0xFFFFE003, lr  }
0x1b: {  	s9 =	sadd.s32 $0xFFFFFEF7, lr;
	s5 =	simm.s32 $0xFFFFFFFF;
	p2 =	slt.u32 s8, $0xFFFFF086  }
0x1c: {  	p1 =	slt.u32 s9, $0xF7A;
	s5 =	simm.s32 @!p2 $0x0  }
0x1d: {  	s5 =	simm.s32 @p1 $0x1;
	p0 =	seq.s32 s7, s2  }
0x1e: {  	s7 =	smul.u32 @!p0 $0xF7A, s2;
	p2 =	seq.s32 @!p0 s5, $0x0  }
0x1f: {  	s9 =	smul.u32 $0xF7A, s1;
	s8 =	simm.s32 @!p0 $0x1BF5;
	p2 =	por !p2, p0  }
0x20: {  	[sflag:s8] =	ssyncset.s32 @!p0 $0xFFFFF086;
	s6 =	sadd.s32 @!p0 s3, s7;
	s7 =	simm.s32 @!p0 $0x108  }
0x21: {  	s3 =	sadd.s32 s3, s9;
	s6 =	sadd.s32 @!p0 $0x88, s6;
	s7 =	simm.s32 @p2 $0x1082  }
0x22: {  	[simem:s7], [sflag:s8] =	dma.local @!p0 [hbm:s6], $0xF7A  }
0x23: {  	s9 =	sor.u32 $0xD0000000, s2;
	s6 =	simm.s32 $0x108;
	_ =	swait.ge @!p0 [sflag:s8], $0x0  }
0x24: {  	s3 =	sadd.s32 $0x88, s3;
	s6 =	simm.s32 @!p1 $0x1082;
	[sflag:s4] =	ssyncset.s32 $0xFFFFF086  }
0x25: {  	[simem:s6], [sflag:s4] =	dma.local [hbm:s3], $0xF7A  }
0x26: {  	[smem:$0x3F9A] =	sst s1;
	(tag) =	ssettag s2;
	_ =	strace s9  }
0x27: {  	s1 =	sld [smem:$0x3FAA]  }
0x28: {  	s2 =	sld [smem:$0x3FAB]  }
0x29: {  	s4 =	sld [smem:$0x3FAD]  }
0x2a: {  	p0 =	seq.s32 s5, $0x0;
	s5 =	sld [smem:$0x3FAE]  }
0x2b: {  	s6 =	sld [smem:$0x3FAF]  }
0x2c: {  	s7 =	sld [smem:$0x3FB0]  }
0x2d: {  	s3 =	simm.s32 $0x108;
	s8 =	sld [smem:$0x3FB1]  }
0x2e: {  	s3 =	simm.s32 @!p0 $0x1082;
	s9 =	sld [smem:$0x3FB2]  }
0x2f: {  	lr =	sadd.s32 s0, s3;
	s0 =	sld [smem:$0x3FA9]  }
0x30: {  	s3 =	sld [smem:$0x3FAC]  }
0x31: {  	[smem:$0x3FB5] =	sst s10  }
0x32: {  	s10 =	sld [smem:$0x3FB3];
	_ =	sdelay $0x3  }
0x33: {  	p0 =	seq.s32 s10, $0x1;
	s10 =	sld [smem:$0x3FB5];
	_ =	sdelay $0x3  }
0x34: {  	[smem:$0x3FB5] =	sst s10  }
0x35: {  	s10 =	sld [smem:$0x3FB4];
	_ =	sdelay $0x3  }
0x36: {  	p1 =	seq.s32 s10, $0x1;
	s10 =	sld [smem:$0x3FB5];
	_ =	sdelay $0x3  }
0x37: {  	[smem:$0x3FB5] =	sst s10  }
0x38: {  	s10 =	sld [smem:$0x3FB6]  }
0x39: {  	_ = 	snop;
	(pc) =	sbr.ind lr, $3  }
0x3a: {  	_ = 	snop  }
0x3b: {  	_ = 	snop  }
0x3c: {  	p2 =	seq.s32 s10, $0x1;
	s10 =	sld [smem:$0x3FB5]  }
0x3d: {  	_ =	shalt  }
0x3e: {  	_ =	shalt  }
0x3f: {  	_ =	shalt  }
0x40: {  	_ =	shalt  }
0x41: {  	_ =	shalt  }
0x42: {  	_ =	shalt  }
0x43: {  	_ =	shalt  }
0x44: {  	_ =	shalt  }
0x45: {  	_ =	shalt  }
0x46: {  	_ =	shalt  }
0x47: {  	_ =	shalt  }
0x48: {  	_ =	shalt  }
0x49: {  	_ =	shalt  }
0x4a: {  	_ =	shalt  }
0x4b: {  	_ =	shalt  }
0x4c: {  	_ =	shalt  }
0x4d: {  	_ =	shalt  }
0x4e: {  	_ =	shalt  }
0x4f: {  	_ =	shalt  }
0x50: {  	_ =	shalt  }
0x51: {  	_ =	shalt  }
0x52: {  	_ =	shalt  }
0x53: {  	_ =	shalt  }
0x54: {  	_ =	shalt  }
0x55: {  	_ =	shalt  }
0x56: {  	_ =	shalt  }
0x57: {  	_ =	shalt  }
0x58: {  	_ =	shalt  }
0x59: {  	_ =	shalt  }
0x5a: {  	_ =	shalt  }
0x5b: {  	_ =	shalt  }
0x5c: {  	_ =	shalt  }
0x5d: {  	_ =	shalt  }
0x5e: {  	_ =	shalt  }
0x5f: {  	_ =	shalt  }
0x60: {  	_ =	shalt  }
0x61: {  	_ =	shalt  }
0x62: {  	_ =	shalt  }
0x63: {  	_ =	shalt  }
0x64: {  	_ =	shalt  }
0x65: {  	_ =	shalt  }
0x66: {  	_ =	shalt  }
0x67: {  	_ =	shalt  }
0x68: {  	_ =	shalt  }
0x69: {  	_ =	shalt  }
0x6a: {  	_ =	shalt  }
0x6b: {  	_ =	shalt  }
0x6c: {  	_ =	shalt  }
0x6d: {  	_ =	shalt  }
0x6e: {  	_ =	shalt  }
0x6f: {  	_ =	shalt  }
0x70: {  	_ =	shalt  }
0x71: {  	_ =	shalt  }
0x72: {  	_ =	shalt  }
0x73: {  	_ =	shalt  }
0x74: {  	_ =	shalt  }
0x75: {  	_ =	shalt  }
0x76: {  	_ =	shalt  }
0x77: {  	_ =	shalt  }
0x78: {  	_ =	shalt  }
0x79: {  	_ =	shalt  }
0x7a: {  	_ =	shalt  }
0x7b: {  	_ =	shalt  }
0x7c: {  	_ =	shalt  }
0x7d: {  	_ =	shalt  }
0x7e: {  	_ =	shalt  }
0x7f: {  	_ =	shalt  }
0x80: {  	_ =	shalt  }
0x81: {  	_ =	shalt  }
0x82: {  	_ =	shalt  }
0x83: {  	_ =	shalt  }
0x84: {  	_ =	shalt  }
0x85: {  	_ =	shalt  }
0x86: {  	_ =	shalt  }
0x87: {  	_ =	shalt  }
.Lfunc_end0:
.L_simem_size_0:
called_computation_lowered:
.L_overlay_start_0:
0x88: {  	s2 =	sld [smem:$0x3FD9]  }
0x89: {  	s3 =	sld [smem:$0x3FFE];
	_ =	sdelay $0x1  }
0x8a: {  	s1 =	srdreg.scid  }
0x8b: {  	s0 =	sand.u32 $0x1, s1  }
0x8c: {  	s17 =	sshll.u32 s0, $0xA;
	s2 =	sadd.s32 s3, s2  }
0x8d: {  	s2 =	sadd.s32 s2, s17  }
0x8e: {  	[smem:$0x3FC1] =	sst s2  }
0x8f: {  	_ = 	snop  }
0x90: {  	s2 =	sld [smem:$0x3FD0];
	(tm) =	ssettm $0x1  }
0x91: {  	s18 =	sld [smem:$0x3FFB];
	_ =	sdelay $0x3  }
0x92: {  	_ =	strace s18  }
0x93: {  	s3 =	sld [smem:$0x3FFC];
	_ =	sdelay $0x3  }
0x94: {  	_ =	strace s3  }
0x95: {  	s3 =	sld [smem:$0x3FFD];
	_ =	sdelay $0x3  }
0x96: {  	_ =	strace s3  }
0x97: {  	_ =	strace $0x8FFFFFFF  }
0x98: {  	s19 =	sld [smem:$0x3FDB];
	_ =	sdelay $0x1  }
0x99: {  	s4 =	simm.s32 $_scs_section_size  }
0x9a: {  	s5 =	simm.s32 $_size__tile_overlayer_lowered;
	s6 =	simm.s32 $_tile_overlayer_lowered  }
0x9b: {  	s22 =	simm.s32 $0x1BFF;
	s21 =	sshll.u32 s6, $0x1;
	s3 =	sadd.s32 s4, s19  }
0x9c: {  	s7 =	simm.s32 $0x0;
	s20 =	sshll.u32 s5, $0x1;
	s5 =	sadd.s32 s21, s3  }
0x9d: {  	[timem:s7], [sflag:s22] =	dma.local [hbm:s5], s20  }
0x9e: {  	_ =	swait.ge [sflag:s22], s20  }
0x9f: {  	s4 =	ssub.s32 $0x0, s20;
	[sflag:s22] =	ssyncset.done $0x0  }
0xa0: {  	[sflag:s22] =	ssyncadd.s32 s4;
	_ =	sdelay $0x1  }
0xa1: {  	s23 =	simm.s32 $0x1B8B  }
0xa2: {  	_ =	swait.ge [sflag:s23], $0x1  }
0xa3: {  	[sflag:s23] =	ssyncset.done $0x0  }
0xa4: {  	s25 =	simm.s32 $0x1B8E;
	s24 =	sld [smem:$0x3FFE];
	[sflag:s23] =	ssyncadd.s32 $0xFFFFFFFF  }
0xa5: {  	s26 =	simm.s32 $execute0_lowered;
	[smem:$0x3FD2] =	sst s25  }
0xa6: {  	s5 =	sshll.u32 s26, $0x1;
	_ =	strace $0x80000046;
	[dreg:$0x1] =	wrdreg $0xFFFFFFFF  }
0xa7: {  	s28 =	simm.s32 $_size_execute0_lowered;
	s3 =	sadd.s32 s3, s5;
	[dreg:$0x0] =	wrdreg $0x0  }
0xa8: {  	s5 =	sshll.u32 s28, $0x1;
	[dreg:$0x2] =	wrdreg s3  }
0xa9: {  	[dreg:$0x3] =	wrdreg s5  }
0xaa: {  	[dreg:$0x4] =	wrdreg $0xC0  }
0xab: {  	_ =	task [dreg:s7], $0x5FFFF  }
0xac: {  	[dreg:$0x1] =	wrdreg $0xFFFFFFFF  }
0xad: {  	[dreg:$0x0] =	wrdreg $0x60  }
0xae: {  	[dreg:$0x2] =	wrdreg s24  }
0xaf: {  	[dreg:$0x3] =	wrdreg s2  }
0xb0: {  	[dreg:$0x4] =	wrdreg $0x3000  }
0xb1: {  	[dreg:$0x5] =	wrdreg $0x9  }
0xb2: {  	_ =	task.clear_ibuf [dreg:s7], $0x6FFFF;
	_ =	strace $0x90000046  }
0xb3: {  	s29 =	simm.s32 $0x9;
	_ =	strace $0x80000048  }
0xb4: {  	_ =	swait.ge [sflag:s29], $0x1  }
0xb5: {  	[sflag:s29] =	ssyncadd.s32 $0xFFFFFFFF  }
0xb6: {  	_ =	strace $0x90000048  }
0xb7: {  	_ =	sfence  }
0xb8: {  	s30 =	sld [smem:$0x0];
	_ =	sdelay $0x2  }
0xb9: {  	s31 =	sshll.u32 s1, $0xD;
	s1 =	sshrl.u32 s1, $0x2  }
0xba: {  	s3 =	sand.u32 $0x4000, s31;
	s1 =	sadd.s32 s1, s30  }
0xbb: {  	s0 =	sor.u32 s3, s0;
	s1 =	sshll.u32 s1, $0x11  }
0xbc: {  	s0 =	sor.u32 s1, s0  }
0xbd: {  	s0 =	sadd.s32 $0x8F2B, s0  }
0xbe: {  	[sflag:s0] =	ssyncadd.remote.s32 $0x1  }
0xbf: {  	_ =	sfence.sel $0xFFFF  }
0xc0: {  	[dreg:$0x0] =	wrdreg $0xFFFFFFFF;
	(pc) =	sbr.abs _section_cstart, $3  }
0xc1: {  	[dreg:$0x1] =	wrdreg $0xFFFFFFFF  }
0xc2: {  	_ =	task.clear_ibuf [dreg:s7], $0x2FFFF;
	_ =	strace $0x9FFFFFFF  }
0xc3: {  	(tm) =	ssettm $0x7FFFFFFF  }
tec
execute0_lowered:
.L_overlay_start_1:
0x0: {  	(tag) =	ssettag $0x1  }
0x1: {  	s5 =	rddreg [dreg:$0x0]  }
0x2: {  	s7 =	rddreg [dreg:$0x1]  }
0x3: {  	s0 =	srdreg.scid;
	s2 =	rddreg [dreg:$0x2]  }
0x4: {  	s1 =	rddreg [dreg:$0x3];
	s3 =	simm.s32 $0x0;
	s6 =	sand.u32 $0x1, s0  }
0x5: {  	s13 =	simm.s32 $0x2;
	s0 =	stileid.u32;
	s4 =	smul.u32 $0x28000, s6  }
0x6: {  	s14 =	simm.s32 $0x80;
	s15 =	simm.s32 $0x100;
	s8 =	smul.u32 $0x2800, s0  }
0x7: {  	s16 =	simm.s32 $0x180;
	s17 =	simm.s32 $0x200;
	s31 =	smul.u32 $0x280, s0  }
0x8: {  	s19 =	simm.s32 $0x0;
	[smem:$0x7FF] =	sst s3;
	s9 =	smul.u32 $0x2800, s6  }
0x9: {  	_ =	strace $0x80000047;
	s6 =	ssub.s32 $0x2, s6;
	s18 =	sshll.u32 s0, $0x6  }
0xa: {  	s11 =	sshrl.u32 s6, $0x1;
	s4 =	sadd.s32 s8, s4;
	s9 =	sadd.s32 s31, s9  }
0xb: {  	s11 =	ssub.s32 s6, s11;
	s12 =	sadd.s32 s31, s2;
	s6 =	sor.u32 $0x1C01, s18  }
0xc: {  	s18 =	sor.u32 $0x1C02, s18;
	s4 =	sshrl.u32 s4, $0x3;
	s9 =	sshrl.u32 s9, $0x3  }
0xd: {  	s8 =	smax.u32 s11, $0x1;
	s11 =	simm.s32 $0x280;
	s10 =	sadd.s32 s4, s5  }
0xe: {  	s4 =	sadd.s32 $0x16200, s5;
	s5 =	sadd.s32 $0x16000, s5;
	s7 =	sadd.s32 s7, s9  }
0xf: {  	s9 =	sadd.s32 $0xC000, s10;
	s10 =	sshrl.u32 s12, $0x3;
	s12 =	simm.s32 $0x1  }
.LBB2_1:
0x10: {  	[spmem:s10], [sflag:s6] =	dma.local [hbm:s4], $0x50  }
0x11: {  	[tilespmem:s11], [sflag:$0x1] =	stream.linear.gather [hbm4b:s5+s3], $0x80, $0x38;
	[tilespmem:$0x580] =	vst v63  }
0x12: {  	_ =	swait.ge [sflag:s12], $0x50  }
0x13: {  	[sflag:s12] =	ssyncset.done $0x0  }
0x14: {  	[sflag:s12] =	ssyncadd.s32 $0xFFFFFFB0  }
0x15: {  	_ =	swait.ge [sflag:s12], $0x80  }
0x16: {  	[sflag:s12] =	ssyncset.done $0x0  }
0x17: {  	[sflag:s12] =	ssyncadd.s32 $0xFFFFFF80  }
0x18: {  	s20 =	sadd.s32 $0x0, s9;
	[bflag:$0x0] =	sbarrier.arrive $0xFFFF  }
0x19: {  	[tilespmem:s3], [sflag:$0x2] =	stream.linear.gather [hbm4b:s20+s3], $0x280, $0x38;
	[tilespmem:$0x580] =	vst v63  }
0x1a: {  	_ =	swait.ge [sflag:s13], $0x280  }
0x1b: {  	[sflag:s13] =	ssyncset.done $0x0  }
0x1c: {  	[sflag:s13] =	ssyncadd.s32 $0xFFFFFD80  }
0x1d: {  	[spmem:s2] =	stream.indirect.scatter.add.f32 [tilespmem:s11], [sflag:$0x1], $0x1, s3, s14, $0xb8;
	[tilespmem:$0x580] =	vst v63  }
0x1e: {  	_ = 	snop  }
0x1f: {  	[spmem:s2] =	stream.indirect.scatter.add.f32 [tilespmem:s11], [sflag:$0x1], $0x1, s14, s14, $0xb8;
	[tilespmem:$0x580] =	vst v63  }
0x20: {  	_ = 	snop  }
0x21: {  	[spmem:s2] =	stream.indirect.scatter.add.f32 [tilespmem:s11], [sflag:$0x1], $0x1, s15, s14, $0xb8;
	[tilespmem:$0x580] =	vst v63  }
0x22: {  	_ = 	snop  }
0x23: {  	[spmem:s2] =	stream.indirect.scatter.add.f32 [tilespmem:s11], [sflag:$0x1], $0x1, s16, s14, $0xb8;
	[tilespmem:$0x580] =	vst v63  }
0x24: {  	_ = 	snop  }
0x25: {  	[spmem:s2] =	stream.indirect.scatter.add.f32 [tilespmem:s11], [sflag:$0x1], $0x1, s17, s14, $0xb8;
	[tilespmem:$0x580] =	vst v63  }
0x26: {  	_ =	swait.ge [sflag:s12], $0x80  }
0x27: {  	[sflag:s12] =	ssyncset.done $0x0  }
0x28: {  	[sflag:s12] =	ssyncadd.s32 $0xFFFFFF80  }
0x29: {  	_ =	swait.ge [sflag:s12], $0x80  }
0x2a: {  	[sflag:s12] =	ssyncset.done $0x0  }
0x2b: {  	[sflag:s12] =	ssyncadd.s32 $0xFFFFFF80  }
0x2c: {  	_ =	swait.ge [sflag:s12], $0x80  }
0x2d: {  	[sflag:s12] =	ssyncset.done $0x0  }
0x2e: {  	[sflag:s12] =	ssyncadd.s32 $0xFFFFFF80  }
0x2f: {  	_ =	swait.ge [sflag:s12], $0x80  }
0x30: {  	[sflag:s12] =	ssyncset.done $0x0  }
0x31: {  	[sflag:s12] =	ssyncadd.s32 $0xFFFFFF80  }
0x32: {  	_ =	swait.ge [sflag:s12], $0x80  }
0x33: {  	s21 =	simm.s32 $0xA0;
	s20 =	simm.s32 $0x50;
	[sflag:s12] =	ssyncset.done $0x0  }
.LBB2_2:
0x34: {  	s22 =	sadd.s32 s20, s9  }
0x35: {  	[sflag:s12] =	ssyncadd.s32 $0xFFFFFF80;
	s20 =	smov.u32 s21;
	s23 =	sadd.s32 $0x50, s21  }
0x36: {  	[tilespmem:s3], [sflag:$0x2] =	stream.linear.gather [hbm4b:s22+s3], $0x280, $0x38;
	[tilespmem:$0x580] =	vst v63  }
0x37: {  	p0 =	sne.s32 s21, $0x4B0;
	_ =	swait.ge [sflag:s13], $0x280  }
0x38: {  	[sflag:s13] =	ssyncset.done $0x0  }
0x39: {  	[sflag:s13] =	ssyncadd.s32 $0xFFFFFD80  }
0x3a: {  	[spmem:s2] =	stream.indirect.scatter.add.f32 [tilespmem:s11], [sflag:$0x1], $0x1, s3, s14, $0xb8;
	[tilespmem:$0x580] =	vst v63  }
0x3b: {  	_ = 	snop  }
0x3c: {  	[spmem:s2] =	stream.indirect.scatter.add.f32 [tilespmem:s11], [sflag:$0x1], $0x1, s14, s14, $0xb8;
	[tilespmem:$0x580] =	vst v63  }
0x3d: {  	_ = 	snop  }
0x3e: {  	[spmem:s2] =	stream.indirect.scatter.add.f32 [tilespmem:s11], [sflag:$0x1], $0x1, s15, s14, $0xb8;
	[tilespmem:$0x580] =	vst v63  }
0x3f: {  	_ = 	snop  }
0x40: {  	[spmem:s2] =	stream.indirect.scatter.add.f32 [tilespmem:s11], [sflag:$0x1], $0x1, s16, s14, $0xb8;
	[tilespmem:$0x580] =	vst v63  }
0x41: {  	_ = 	snop  }
0x42: {  	[spmem:s2] =	stream.indirect.scatter.add.f32 [tilespmem:s11], [sflag:$0x1], $0x1, s17, s14, $0xb8;
	[tilespmem:$0x580] =	vst v63  }
0x43: {  	_ =	swait.ge [sflag:s12], $0x80  }
0x44: {  	[sflag:s12] =	ssyncset.done $0x0  }
0x45: {  	[sflag:s12] =	ssyncadd.s32 $0xFFFFFF80  }
0x46: {  	_ =	swait.ge [sflag:s12], $0x80  }
0x47: {  	[sflag:s12] =	ssyncset.done $0x0  }
0x48: {  	[sflag:s12] =	ssyncadd.s32 $0xFFFFFF80  }
0x49: {  	_ =	swait.ge [sflag:s12], $0x80  }
0x4a: {  	[sflag:s12] =	ssyncset.done $0x0  }
0x4b: {  	[sflag:s12] =	ssyncadd.s32 $0xFFFFFF80  }
.Ltmp0:
0x4c: {  	_ =	swait.ge [sflag:s12], $0x80;
	(pc) =	sbr.rel @p0 .LBB2_2-.Ltmp0, $4  }
0x4d: {  	[sflag:s12] =	ssyncset.done $0x0  }
0x4e: {  	[sflag:s12] =	ssyncadd.s32 $0xFFFFFF80  }
0x4f: {  	_ =	swait.ge [sflag:s12], $0x80  }
0x50: {  	s21 =	smov.u32 s23;
	[sflag:s12] =	ssyncset.done $0x0  }
0x51: {  	s20 =	sadd.s32 s20, s9;
	[sflag:s12] =	ssyncadd.s32 $0xFFFFFF80  }
0x52: {  	[tilespmem:s3], [sflag:$0x2] =	stream.linear.gather [hbm4b:s20+s3], $0x280, $0x38;
	[tilespmem:$0x580] =	vst v63  }
0x53: {  	_ =	swait.ge [sflag:s13], $0x280  }
0x54: {  	[sflag:s13] =	ssyncset.done $0x0  }
0x55: {  	[sflag:s13] =	ssyncadd.s32 $0xFFFFFD80  }
0x56: {  	[spmem:s2] =	stream.indirect.scatter.add.f32 [tilespmem:s11], [sflag:$0x1], $0x1, s3, s14, $0xb8;
	[tilespmem:$0x580] =	vst v63  }
0x57: {  	_ = 	snop  }
0x58: {  	[spmem:s2] =	stream.indirect.scatter.add.f32 [tilespmem:s11], [sflag:$0x1], $0x1, s14, s14, $0xb8;
	[tilespmem:$0x580] =	vst v63  }
0x59: {  	_ = 	snop  }
0x5a: {  	[spmem:s2] =	stream.indirect.scatter.add.f32 [tilespmem:s11], [sflag:$0x1], $0x1, s15, s14, $0xb8;
	[tilespmem:$0x580] =	vst v63  }
0x5b: {  	_ = 	snop  }
0x5c: {  	[spmem:s2] =	stream.indirect.scatter.add.f32 [tilespmem:s11], [sflag:$0x1], $0x1, s16, s14, $0xb8;
	[tilespmem:$0x580] =	vst v63  }
0x5d: {  	_ = 	snop  }
0x5e: {  	[spmem:s2] =	stream.indirect.scatter.add.f32 [tilespmem:s11], [sflag:$0x1], $0x1, s17, s14, $0xb8;
	[tilespmem:$0x580] =	vst v63  }
0x5f: {  	_ =	swait.ge [sflag:s12], $0x80  }
0x60: {  	[sflag:s12] =	ssyncset.done $0x0  }
0x61: {  	[sflag:s12] =	ssyncadd.s32 $0xFFFFFF80  }
0x62: {  	_ =	swait.ge [sflag:s12], $0x80  }
0x63: {  	[sflag:s12] =	ssyncset.done $0x0  }
0x64: {  	[sflag:s12] =	ssyncadd.s32 $0xFFFFFF80  }
0x65: {  	_ =	swait.ge [sflag:s12], $0x80  }
0x66: {  	[sflag:s12] =	ssyncset.done $0x0  }
0x67: {  	[sflag:s12] =	ssyncadd.s32 $0xFFFFFF80  }
0x68: {  	_ =	swait.ge [sflag:s12], $0x80  }
0x69: {  	[sflag:s12] =	ssyncset.done $0x0  }
0x6a: {  	[sflag:s12] =	ssyncadd.s32 $0xFFFFFF80  }
0x6b: {  	_ =	swait.ge [sflag:s12], $0x80  }
0x6c: {  	s19 =	sadd.s32 $0x1, s19;
	[sflag:s12] =	ssyncset.done $0x0  }
0x6d: {  	p0 =	sne.s32 s19, s8;
	[sflag:s12] =	ssyncadd.s32 $0xFFFFFF80  }
.Ltmp1:
0x6e: {  	[bflag:$0x0] =	sbarrier.arrive $0xFFFF;
	(pc) =	sbr.rel @p0 .LBB2_1-.Ltmp1, $4  }
0x6f: {  	[hbm:s7], [sflag:s18] =	dma.local [spmem:s10], $0x50  }
0x70: {  	_ =	swait.ge [sflag:s13], $0x50  }
0x71: {  	[sflag:s13] =	ssyncset.done $0x0  }
0x72: {  	[sflag:s13] =	ssyncadd.s32 $0xFFFFFFB0  }
0x73: {  	_ =	sfence.sel $0x180000  }
0x74: {  	[bflag:$0x0] =	sbarrier.arrive $0xFFFF  }
0x75: {  	p0 =	sne.s32 s0, $0x0;
	_ =	strace $0x90000047  }
0x76: {  	s0 =	sadd.s32 @!p0 $0x100000, s1;
	[bflag:$0x2] =	sbarrier.arrive $0xFFFF  }
0x77: {  	[sflag:s0] =	ssyncadd.tile.s32 @!p0 $0x1;
	_ =	shalt  }
.Lfunc_end2:
_tile_overlayer_lowered:
.L_overlay_start_2:
0x78: {  	(tag) =	ssettag $0x2  }
0x79: {  	s0 =	rddreg [dreg:$0x0];
	s2 =	stileid.u32  }
0x7a: {  	s1 =	rddreg [dreg:$0x1];
	p0 =	sne.s32 s2, $0x0  }
0x7b: {  	s3 =	rddreg [dreg:$0x2];
	[bflag:$0x3] =	sbarrier.arrive $0xFFFF;
	s2 =	simm.s32 @!p0 $0x1C02  }
0x7c: {  	[timem:s3], [sflag:s2] =	dma.local @!p0 [hbm:s0], s1  }
0x7d: {  	s0 =	simm.s32 @!p0 $0x2  }
0x7e: {  	_ =	swait.ge @!p0 [sflag:s0], s1  }
0x7f: {  	s1 =	ssub.s32 @!p0 $0x0, s1;
	[sflag:s0] =	ssyncset.done @!p0 $0x0  }
0x80: {  	[sflag:s0] =	ssyncadd.s32 @!p0 s1  }
0x81: {  	[bflag:$0x3] =	sbarrier.arrive $0xFFFF  }
0x82: {  	_ =	shalt  }

</sc_bundles>
